<compile_context>
chip_gen: v7x
topology: tpu7x:2x2x1
jax: 0.10.2.dev20260603
libtpu: 0.0.44.dev20260713+nightly
codegen_flags: <defaults>
</compile_context>

<pallas_src>
import functools

import jax
import jax.numpy as jnp
from jax import lax
from jax.experimental import pallas as pl
from jax.experimental.pallas import tpu as pltpu
from jax.experimental.pallas import tpu_sc as plsc

B = 4096
S = 200
D = 128
H = 512
VOUT = 1000

_NC = 2
_NS = 16
NW = _NC * _NS
BPW = B // NW

S0 = 104
S1 = S - S0


def _pool_sc(texts, embed):
    mesh = plsc.VectorSubcoreMesh(core_axis_name="c", subcore_axis_name="s")

    @functools.partial(
        pl.kernel,
        out_type=jax.ShapeDtypeStruct((B * D,), jnp.float32),
        mesh=mesh,
        scratch_types=[
            pltpu.VMEM((BPW * S,), jnp.int32),
            pltpu.VMEM((S, D), jnp.float32),
            pltpu.VMEM((S, D), jnp.float32),
            pltpu.VMEM((S, D), jnp.float32),
            pltpu.VMEM((S, D), jnp.float32),
            pltpu.VMEM((256,), jnp.float32),
            pltpu.SemaphoreType.DMA,
            pltpu.SemaphoreType.DMA,
            pltpu.SemaphoreType.DMA,
            pltpu.SemaphoreType.DMA,
            pltpu.SemaphoreType.DMA,
        ],
    )
    def k(texts_hbm, embed_hbm, out_hbm, idx_v, r0, r1, r2, r3, stage_v,
          s0, s1, s2, s3, sem_o):
        wid = lax.axis_index("s") * _NC + lax.axis_index("c")
        base = wid * BPW

        pltpu.sync_copy(texts_hbm.at[pl.ds(base * S, BPW * S)], idx_v)

        bufs = ((r0, s0), (r1, s1), (r2, s2), (r3, s3))

        def fire(b, rows_ref, sem):
            off = pl.multiple_of(b * S, 8)
            pltpu.async_copy(
                embed_hbm.at[idx_v.at[pl.ds(off, S0)]],
                rows_ref.at[pl.ds(0, S0)], sem)
            pltpu.async_copy(
                embed_hbm.at[idx_v.at[pl.ds(off + S0, S1)]],
                rows_ref.at[pl.ds(S0, S1)], sem)

        def wait(rows_ref, sem):
            pltpu.make_async_copy(
                embed_hbm.at[pl.ds(0, S)], rows_ref, sem).wait()

        scale = jnp.float32(1.0 / S)

        def drain_out():
            pltpu.make_async_copy(
                out_hbm.at[pl.ds(0, D)], stage_v.at[pl.ds(0, D)],
                sem_o).wait()

        def accum_out(b, rows_ref):
            def body(s, accs):
                return tuple(accs[j] + rows_ref[s, pl.ds(j * 16, 16)]
                             for j in range(8))
            accs = lax.fori_loop(
                0, S, body,
                tuple(jnp.zeros((16,), jnp.float32) for _ in range(8)))
            slot = (b % 2) * D

            @pl.when(b >= 2)
            def _():
                drain_out()

            for j in range(8):
                stage_v[pl.ds(slot + j * 16, 16)] = accs[j] * scale
            pltpu.async_copy(
                stage_v.at[pl.ds(slot, D)],
                out_hbm.at[pl.ds((base + b) * D, D)], sem_o)

        for e in range(3):
            fire(e, *bufs[e])

        def loop_body(i, carry):
            b = i * 4
            for u in range(4):
                rows_ref, sem = bufs[u]
                wait(rows_ref, sem)
                accum_out(b + u, rows_ref)
                nxt = b + u + 3

                @pl.when(nxt < BPW)
                def _(nxt=nxt, u=u):
                    fire(nxt, *bufs[(u + 3) % 4])

            return carry

        lax.fori_loop(0, BPW // 4, loop_body, 0)
        drain_out()
        drain_out()

    return k(texts.reshape(B * S), embed)


def _mlp_body(p_ref, w1_ref, b1_ref, w2_ref, b2_ref, o_ref):
    h = jnp.dot(p_ref[...], w1_ref[...],
                preferred_element_type=jnp.float32) + b1_ref[...]
    h = jnp.maximum(h, 0.0)
    o_ref[...] = jnp.dot(h, w2_ref[...],
                         preferred_element_type=jnp.float32) + b2_ref[...]


def _mlp_tc(pooled, W1, b1, W2, b2):
    BM = 512
    return pl.pallas_call(
        _mlp_body,
        grid=(B // BM,),
        in_specs=[
            pl.BlockSpec((BM, D), lambda i: (i, 0)),
            pl.BlockSpec((D, H), lambda i: (0, 0)),
            pl.BlockSpec((1, H), lambda i: (0, 0)),
            pl.BlockSpec((H, VOUT), lambda i: (0, 0)),
            pl.BlockSpec((1, VOUT), lambda i: (0, 0)),
        ],
        out_specs=pl.BlockSpec((BM, VOUT), lambda i: (i, 0)),
        out_shape=jax.ShapeDtypeStruct((B, VOUT), jnp.float32),
    )(pooled, W1, b1.reshape(1, H), W2, b2.reshape(1, VOUT))


def kernel(texts, embed, W1, b1, W2, b2):
    pooled = _pool_sc(texts, embed).reshape(B, D)
    return _mlp_tc(pooled, W1, b1, W2, b2)

# --- scband reference (transcript-rebuilt; emitter-appended) ---
"""Pipeline reference for scband-bag-of-embeddings-5111011082566 (READ-ONLY COPY).

The authoritative reference and input builder live on the scoring server;
editing this copy changes nothing except your own understanding.
"""

import jax, jax.numpy as jnp
import numpy as np

INPUT_VOCAB = 100000
OUTPUT_VOCAB = 1000
EMBED_DIM = 128
HIDDEN = 512
BATCH = 4096
SEQ = 200

def setup_inputs(seed: int = 0) -> dict:
    key = jax.random.key(seed)
    k_idx, k_emb, k_w1, k_b1, k_w2, k_b2 = jax.random.split(key, 6)
    texts = jax.random.randint(k_idx, (BATCH, SEQ), 0, INPUT_VOCAB, dtype=jnp.int64 if jax.config.jax_enable_x64 else jnp.int32)
    embed = jax.random.normal(k_emb, (INPUT_VOCAB, EMBED_DIM), dtype=jnp.float32) * 0.02
    W1 = jax.random.normal(k_w1, (EMBED_DIM, HIDDEN), dtype=jnp.float32) * (1.0 / np.sqrt(EMBED_DIM))
    b1 = jax.random.normal(k_b1, (HIDDEN,), dtype=jnp.float32) * 0.01
    W2 = jax.random.normal(k_w2, (HIDDEN, OUTPUT_VOCAB), dtype=jnp.float32) * (1.0 / np.sqrt(HIDDEN))
    b2 = jax.random.normal(k_b2, (OUTPUT_VOCAB,), dtype=jnp.float32) * 0.01
    return {"texts": texts, "embed": embed, "W1": W1, "b1": b1, "W2": W2, "b2": b2}

def reference(texts, embed, W1, b1, W2, b2):
    # nn.Embedding lookup -> gather rows
    emb = jnp.take(embed, texts, axis=0)            # [B, S, D]
    pooled = jnp.mean(emb, axis=1)                  # [B, D]
    features = pooled @ W1 + b1                     # [B, H]
    act = jax.nn.relu(features)
    # dropout_rate = 0.0 -> identity (eval-equivalent)
    out = act @ W2 + b2                             # [B, V_out]
    return out

if __name__ == "__main__":
    import jax
    _d = setup_inputs()
    print(jax.jit(kernel)(*tuple(_d.values())))

</pallas_src>

<mosaic_0001>
#map = affine_map<(d0, d1) -> (0)>
#map1 = affine_map<(d0, d1) -> (0, 0)>
module attributes {stable_mosaic.version = 14 : i64} {
  func.func @k(%arg0: i32, %arg1: i32, %arg2: memref<819200xi32, #tpu.memory_space<hbm>>, %arg3: memref<100000x128xf32, #tpu.memory_space<hbm>>, %arg4: memref<524288xf32, #tpu.memory_space<hbm>>, %arg5: memref<25600xi32, #tpu.memory_space<vmem>>, %arg6: memref<200x128xf32, #tpu.memory_space<vmem>>, %arg7: memref<200x128xf32, #tpu.memory_space<vmem>>, %arg8: memref<200x128xf32, #tpu.memory_space<vmem>>, %arg9: memref<200x128xf32, #tpu.memory_space<vmem>>, %arg10: memref<256xf32, #tpu.memory_space<vmem>>, %arg11: memref<!tpu.dma_semaphore, #tpu.memory_space<semaphore_mem>>, %arg12: memref<!tpu.dma_semaphore, #tpu.memory_space<semaphore_mem>>, %arg13: memref<!tpu.dma_semaphore, #tpu.memory_space<semaphore_mem>>, %arg14: memref<!tpu.dma_semaphore, #tpu.memory_space<semaphore_mem>>, %arg15: memref<!tpu.dma_semaphore, #tpu.memory_space<semaphore_mem>>) attributes {dimension_semantics = [#tpu.dimension_semantics<core_parallel>, #tpu.dimension_semantics<subcore_parallel>], iteration_bounds = array<i64: 2, 16>, scalar_prefetch = 0 : i64, scratch_operands = 11 : i64, tpu.core_type = #tpu.core_type<sc_vector_subcore>, window_params = [{transform_indices = #map}, {transform_indices = #map1}, {transform_indices = #map}]} {
    %mul3A = arith.constant 2 : i32
    %mul3A_0 = arith.muli %arg1, %mul3A : i32
    %add3A = arith.addi %mul3A_0, %arg0 : i32
    %mul3A_1 = arith.constant 128 : i32
    %mul3A_2 = arith.muli %add3A, %mul3A_1 : i32
    %mul3A_3 = arith.constant 200 : i32
    %mul3A_4 = arith.muli %mul3A_2, %mul3A_3 : i32
    "tpu.region"() ({
      %run_scoped3A = tpu.sem_alloc : memref<!tpu.dma_semaphore, #tpu.memory_space<semaphore_mem>>
      %dma_start3A_78 = tpu.memref_slice %arg2[%mul3A_4] : memref<819200xi32, #tpu.memory_space<hbm>> -> memref<25600xi32, #tpu.memory_space<hbm>>
      %dma_start3A_79 = tpu.memref_slice %arg2[%mul3A_4] : memref<819200xi32, #tpu.memory_space<hbm>> -> memref<25600xi32, #tpu.memory_space<hbm>>
      tpu.enqueue_dma source(%dma_start3A_79 : memref<25600xi32, #tpu.memory_space<hbm>>) target(%arg5 : memref<25600xi32, #tpu.memory_space<vmem>>) target_semaphore(%run_scoped3A : memref<!tpu.dma_semaphore, #tpu.memory_space<semaphore_mem>>)
      %dma_wait3A_80 = tpu.memref_slice %arg2[%mul3A_4] : memref<819200xi32, #tpu.memory_space<hbm>> -> memref<25600xi32, #tpu.memory_space<hbm>>
      %dma_wait3A_81 = tpu.memref_slice %arg2[%mul3A_4] : memref<819200xi32, #tpu.memory_space<hbm>> -> memref<25600xi32, #tpu.memory_space<hbm>>
      tpu.wait_dma2 semaphore(%run_scoped3A : memref<!tpu.dma_semaphore, #tpu.memory_space<semaphore_mem>>) src(%dma_wait3A_81 : memref<25600xi32, #tpu.memory_space<hbm>>) dst(%arg5 : memref<25600xi32, #tpu.memory_space<vmem>>)
      tpu.yield
    }) : () -> ()
    %multiple_of3A = arith.constant 0 : i32
    %multiple_of3A_5 = tpu.assume_multiple %multiple_of3A, 8 : i32
    %dma_start3A = arith.constant 0 : i32
    %dma_start3A_6 = arith.constant 0 : i32
    %dma_start3A_7 = tpu.memref_slice %arg6[%dma_start3A, %dma_start3A_6] : memref<200x128xf32, #tpu.memory_space<vmem>> -> memref<104x128xf32, #tpu.memory_space<vmem>>
    %dma_start3A_8 = tpu.memref_slice %arg5[%multiple_of3A_5] : memref<25600xi32, #tpu.memory_space<vmem>> -> memref<104xi32, #tpu.memory_space<vmem>>
    %dma_start3A_9 = arith.constant 0 : i32
    %dma_start3A_10 = arith.constant 0 : i32
    %dma_start3A_11 = tpu.memref_slice %arg3[%dma_start3A_9, %dma_start3A_10] : memref<100000x128xf32, #tpu.memory_space<hbm>> -> memref<100000x128xf32, #tpu.memory_space<hbm>>
    tpu.enqueue_indirect_dma source(%dma_start3A_11 : memref<100000x128xf32, #tpu.memory_space<hbm>>) target(%dma_start3A_7 : memref<104x128xf32, #tpu.memory_space<vmem>>) offsets(%dma_start3A_8 : memref<104xi32, #tpu.memory_space<vmem>>) semaphore(%arg11 : memref<!tpu.dma_semaphore, #tpu.memory_space<semaphore_mem>>)
    %add3A_12 = arith.constant 104 : i32
    %add3A_13 = arith.addi %multiple_of3A_5, %add3A_12 : i32
    %dma_start3A_14 = arith.constant 104 : i32
    %dma_start3A_15 = arith.constant 0 : i32
    %dma_start3A_16 = tpu.memref_slice %arg6[%dma_start3A_14, %dma_start3A_15] : memref<200x128xf32, #tpu.memory_space<vmem>> -> memref<96x128xf32, #tpu.memory_space<vmem>>
    %dma_start3A_17 = tpu.memref_slice %arg5[%add3A_13] : memref<25600xi32, #tpu.memory_space<vmem>> -> memref<96xi32, #tpu.memory_space<vmem>>
    %dma_start3A_18 = arith.constant 0 : i32
    %dma_start3A_19 = arith.constant 0 : i32
    %dma_start3A_20 = tpu.memref_slice %arg3[%dma_start3A_18, %dma_start3A_19] : memref<100000x128xf32, #tpu.memory_space<hbm>> -> memref<100000x128xf32, #tpu.memory_space<hbm>>
    tpu.enqueue_indirect_dma source(%dma_start3A_20 : memref<100000x128xf32, #tpu.memory_space<hbm>>) target(%dma_start3A_16 : memref<96x128xf32, #tpu.memory_space<vmem>>) offsets(%dma_start3A_17 : memref<96xi32, #tpu.memory_space<vmem>>) semaphore(%arg11 : memref<!tpu.dma_semaphore, #tpu.memory_space<semaphore_mem>>)
    %multiple_of3A_21 = arith.constant 200 : i32
    %multiple_of3A_22 = tpu.assume_multiple %multiple_of3A_21, 8 : i32
    %dma_start3A_23 = arith.constant 0 : i32
    %dma_start3A_24 = arith.constant 0 : i32
    %dma_start3A_25 = tpu.memref_slice %arg7[%dma_start3A_23, %dma_start3A_24] : memref<200x128xf32, #tpu.memory_space<vmem>> -> memref<104x128xf32, #tpu.memory_space<vmem>>
    %dma_start3A_26 = tpu.memref_slice %arg5[%multiple_of3A_22] : memref<25600xi32, #tpu.memory_space<vmem>> -> memref<104xi32, #tpu.memory_space<vmem>>
    %dma_start3A_27 = arith.constant 0 : i32
    %dma_start3A_28 = arith.constant 0 : i32
    %dma_start3A_29 = tpu.memref_slice %arg3[%dma_start3A_27, %dma_start3A_28] : memref<100000x128xf32, #tpu.memory_space<hbm>> -> memref<100000x128xf32, #tpu.memory_space<hbm>>
    tpu.enqueue_indirect_dma source(%dma_start3A_29 : memref<100000x128xf32, #tpu.memory_space<hbm>>) target(%dma_start3A_25 : memref<104x128xf32, #tpu.memory_space<vmem>>) offsets(%dma_start3A_26 : memref<104xi32, #tpu.memory_space<vmem>>) semaphore(%arg12 : memref<!tpu.dma_semaphore, #tpu.memory_space<semaphore_mem>>)
    %add3A_30 = arith.constant 104 : i32
    %add3A_31 = arith.addi %multiple_of3A_22, %add3A_30 : i32
    %dma_start3A_32 = arith.constant 104 : i32
    %dma_start3A_33 = arith.constant 0 : i32
    %dma_start3A_34 = tpu.memref_slice %arg7[%dma_start3A_32, %dma_start3A_33] : memref<200x128xf32, #tpu.memory_space<vmem>> -> memref<96x128xf32, #tpu.memory_space<vmem>>
    %dma_start3A_35 = tpu.memref_slice %arg5[%add3A_31] : memref<25600xi32, #tpu.memory_space<vmem>> -> memref<96xi32, #tpu.memory_space<vmem>>
    %dma_start3A_36 = arith.constant 0 : i32
    %dma_start3A_37 = arith.constant 0 : i32
    %dma_start3A_38 = tpu.memref_slice %arg3[%dma_start3A_36, %dma_start3A_37] : memref<100000x128xf32, #tpu.memory_space<hbm>> -> memref<100000x128xf32, #tpu.memory_space<hbm>>
    tpu.enqueue_indirect_dma source(%dma_start3A_38 : memref<100000x128xf32, #tpu.memory_space<hbm>>) target(%dma_start3A_34 : memref<96x128xf32, #tpu.memory_space<vmem>>) offsets(%dma_start3A_35 : memref<96xi32, #tpu.memory_space<vmem>>) semaphore(%arg12 : memref<!tpu.dma_semaphore, #tpu.memory_space<semaphore_mem>>)
    %multiple_of3A_39 = arith.constant 400 : i32
    %multiple_of3A_40 = tpu.assume_multiple %multiple_of3A_39, 8 : i32
    %dma_start3A_41 = arith.constant 0 : i32
    %dma_start3A_42 = arith.constant 0 : i32
    %dma_start3A_43 = tpu.memref_slice %arg8[%dma_start3A_41, %dma_start3A_42] : memref<200x128xf32, #tpu.memory_space<vmem>> -> memref<104x128xf32, #tpu.memory_space<vmem>>
    %dma_start3A_44 = tpu.memref_slice %arg5[%multiple_of3A_40] : memref<25600xi32, #tpu.memory_space<vmem>> -> memref<104xi32, #tpu.memory_space<vmem>>
    %dma_start3A_45 = arith.constant 0 : i32
    %dma_start3A_46 = arith.constant 0 : i32
    %dma_start3A_47 = tpu.memref_slice %arg3[%dma_start3A_45, %dma_start3A_46] : memref<100000x128xf32, #tpu.memory_space<hbm>> -> memref<100000x128xf32, #tpu.memory_space<hbm>>
    tpu.enqueue_indirect_dma source(%dma_start3A_47 : memref<100000x128xf32, #tpu.memory_space<hbm>>) target(%dma_start3A_43 : memref<104x128xf32, #tpu.memory_space<vmem>>) offsets(%dma_start3A_44 : memref<104xi32, #tpu.memory_space<vmem>>) semaphore(%arg13 : memref<!tpu.dma_semaphore, #tpu.memory_space<semaphore_mem>>)
    %add3A_48 = arith.constant 104 : i32
    %add3A_49 = arith.addi %multiple_of3A_40, %add3A_48 : i32
    %dma_start3A_50 = arith.constant 104 : i32
    %dma_start3A_51 = arith.constant 0 : i32
    %dma_start3A_52 = tpu.memref_slice %arg8[%dma_start3A_50, %dma_start3A_51] : memref<200x128xf32, #tpu.memory_space<vmem>> -> memref<96x128xf32, #tpu.memory_space<vmem>>
    %dma_start3A_53 = tpu.memref_slice %arg5[%add3A_49] : memref<25600xi32, #tpu.memory_space<vmem>> -> memref<96xi32, #tpu.memory_space<vmem>>
    %dma_start3A_54 = arith.constant 0 : i32
    %dma_start3A_55 = arith.constant 0 : i32
    %dma_start3A_56 = tpu.memref_slice %arg3[%dma_start3A_54, %dma_start3A_55] : memref<100000x128xf32, #tpu.memory_space<hbm>> -> memref<100000x128xf32, #tpu.memory_space<hbm>>
    tpu.enqueue_indirect_dma source(%dma_start3A_56 : memref<100000x128xf32, #tpu.memory_space<hbm>>) target(%dma_start3A_52 : memref<96x128xf32, #tpu.memory_space<vmem>>) offsets(%dma_start3A_53 : memref<96xi32, #tpu.memory_space<vmem>>) semaphore(%arg13 : memref<!tpu.dma_semaphore, #tpu.memory_space<semaphore_mem>>)
    %scan3A = arith.constant 0 : i32
    %scan3A_57 = arith.constant 5.000000e-03 : f32
    %scan3A_58 = arith.constant 0 : i32
    %scan3A_59 = arith.constant 32 : i32
    %scan3A_60 = arith.addi %scan3A_58, %scan3A_59 : i32
    %scan3A_61 = arith.constant 1 : i32
    scf.for %scan3A_78 = %scan3A_58 to %scan3A_60 step %scan3A_61  : i32 {
      %mul3A_79 = arith.constant 4 : i32
      %mul3A_80 = arith.muli %scan3A_78, %mul3A_79 : i32
      %dma_wait3A_81 = arith.constant 0 : i32
      %dma_wait3A_82 = arith.constant 0 : i32
      %dma_wait3A_83 = tpu.memref_slice %arg3[%dma_wait3A_81, %dma_wait3A_82] : memref<100000x128xf32, #tpu.memory_space<hbm>> -> memref<200x128xf32, #tpu.memory_space<hbm>>
      %dma_wait3A_84 = arith.constant 0 : i32
      %dma_wait3A_85 = arith.constant 0 : i32
      %dma_wait3A_86 = tpu.memref_slice %arg3[%dma_wait3A_84, %dma_wait3A_85] : memref<100000x128xf32, #tpu.memory_space<hbm>> -> memref<200x128xf32, #tpu.memory_space<hbm>>
      tpu.wait_dma2 semaphore(%arg11 : memref<!tpu.dma_semaphore, #tpu.memory_space<semaphore_mem>>) src(%dma_wait3A_86 : memref<200x128xf32, #tpu.memory_space<hbm>>) dst(%arg6 : memref<200x128xf32, #tpu.memory_space<vmem>>)
      %add3A_87 = arith.constant 0 : i32
      %add3A_88 = arith.addi %mul3A_80, %add3A_87 : i32
      %broadcast_in_dim3A = arith.constant 0.000000e+00 : f32
      %broadcast_in_dim3A_89 = vector.broadcast %broadcast_in_dim3A : f32 to vector<16xf32>
      %broadcast_in_dim3A_90 = arith.constant 0.000000e+00 : f32
      %broadcast_in_dim3A_91 = vector.broadcast %broadcast_in_dim3A_90 : f32 to vector<16xf32>
      %broadcast_in_dim3A_92 = arith.constant 0.000000e+00 : f32
      %broadcast_in_dim3A_93 = vector.broadcast %broadcast_in_dim3A_92 : f32 to vector<16xf32>
      %broadcast_in_dim3A_94 = arith.constant 0.000000e+00 : f32
      %broadcast_in_dim3A_95 = vector.broadcast %broadcast_in_dim3A_94 : f32 to vector<16xf32>
      %broadcast_in_dim3A_96 = arith.constant 0.000000e+00 : f32
      %broadcast_in_dim3A_97 = vector.broadcast %broadcast_in_dim3A_96 : f32 to vector<16xf32>
      %broadcast_in_dim3A_98 = arith.constant 0.000000e+00 : f32
      %broadcast_in_dim3A_99 = vector.broadcast %broadcast_in_dim3A_98 : f32 to vector<16xf32>
      %broadcast_in_dim3A_100 = arith.constant 0.000000e+00 : f32
      %broadcast_in_dim3A_101 = vector.broadcast %broadcast_in_dim3A_100 : f32 to vector<16xf32>
      %broadcast_in_dim3A_102 = arith.constant 0.000000e+00 : f32
      %broadcast_in_dim3A_103 = vector.broadcast %broadcast_in_dim3A_102 : f32 to vector<16xf32>
      %scan3A_104 = arith.constant 0 : i32
      %scan3A_105 = arith.constant 200 : i32
      %scan3A_106 = arith.addi %scan3A_104, %scan3A_105 : i32
      %scan3A_107 = arith.constant 1 : i32
      %scan3A_108:8 = scf.for %scan3A_601 = %scan3A_104 to %scan3A_106 step %scan3A_107 iter_args(%scan3A_602 = %broadcast_in_dim3A_89, %scan3A_603 = %broadcast_in_dim3A_91, %scan3A_604 = %broadcast_in_dim3A_93, %scan3A_605 = %broadcast_in_dim3A_95, %scan3A_606 = %broadcast_in_dim3A_97, %scan3A_607 = %broadcast_in_dim3A_99, %scan3A_608 = %broadcast_in_dim3A_101, %scan3A_609 = %broadcast_in_dim3A_103) -> (vector<16xf32>, vector<16xf32>, vector<16xf32>, vector<16xf32>, vector<16xf32>, vector<16xf32>, vector<16xf32>, vector<16xf32>)  : i32 {
        %get3A = arith.index_cast %scan3A_601 : i32 to index
        %get3A_610 = arith.constant 0 : index
        %get3A_611 = tpu.vector_load %arg6[%get3A, %get3A_610] {strides = array<i32>} : memref<200x128xf32, #tpu.memory_space<vmem>>, vector<1x16xf32>,
        %get3A_612 = vector.shape_cast %get3A_611 : vector<1x16xf32> to vector<16xf32>
        %add3A_613 = arith.addf %scan3A_602, %get3A_612 : vector<16xf32>
        %get3A_614 = arith.index_cast %scan3A_601 : i32 to index
        %get3A_615 = arith.constant 16 : index
        %get3A_616 = tpu.vector_load %arg6[%get3A_614, %get3A_615] {strides = array<i32>} : memref<200x128xf32, #tpu.memory_space<vmem>>, vector<1x16xf32>,
        %get3A_617 = vector.shape_cast %get3A_616 : vector<1x16xf32> to vector<16xf32>
        %add3A_618 = arith.addf %scan3A_603, %get3A_617 : vector<16xf32>
        %get3A_619 = arith.index_cast %scan3A_601 : i32 to index
        %get3A_620 = arith.constant 32 : index
        %get3A_621 = tpu.vector_load %arg6[%get3A_619, %get3A_620] {strides = array<i32>} : memref<200x128xf32, #tpu.memory_space<vmem>>, vector<1x16xf32>,
        %get3A_622 = vector.shape_cast %get3A_621 : vector<1x16xf32> to vector<16xf32>
        %add3A_623 = arith.addf %scan3A_604, %get3A_622 : vector<16xf32>
        %get3A_624 = arith.index_cast %scan3A_601 : i32 to index
        %get3A_625 = arith.constant 48 : index
        %get3A_626 = tpu.vector_load %arg6[%get3A_624, %get3A_625] {strides = array<i32>} : memref<200x128xf32, #tpu.memory_space<vmem>>, vector<1x16xf32>,
        %get3A_627 = vector.shape_cast %get3A_626 : vector<1x16xf32> to vector<16xf32>
        %add3A_628 = arith.addf %scan3A_605, %get3A_627 : vector<16xf32>
        %get3A_629 = arith.index_cast %scan3A_601 : i32 to index
        %get3A_630 = arith.constant 64 : index
        %get3A_631 = tpu.vector_load %arg6[%get3A_629, %get3A_630] {strides = array<i32>} : memref<200x128xf32, #tpu.memory_space<vmem>>, vector<1x16xf32>,
        %get3A_632 = vector.shape_cast %get3A_631 : vector<1x16xf32> to vector<16xf32>
        %add3A_633 = arith.addf %scan3A_606, %get3A_632 : vector<16xf32>
        %get3A_634 = arith.index_cast %scan3A_601 : i32 to index
        %get3A_635 = arith.constant 80 : index
        %get3A_636 = tpu.vector_load %arg6[%get3A_634, %get3A_635] {strides = array<i32>} : memref<200x128xf32, #tpu.memory_space<vmem>>, vector<1x16xf32>,
        %get3A_637 = vector.shape_cast %get3A_636 : vector<1x16xf32> to vector<16xf32>
        %add3A_638 = arith.addf %scan3A_607, %get3A_637 : vector<16xf32>
        %get3A_639 = arith.index_cast %scan3A_601 : i32 to index
        %get3A_640 = arith.constant 96 : index
        %get3A_641 = tpu.vector_load %arg6[%get3A_639, %get3A_640] {strides = array<i32>} : memref<200x128xf32, #tpu.memory_space<vmem>>, vector<1x16xf32>,
        %get3A_642 = vector.shape_cast %get3A_641 : vector<1x16xf32> to vector<16xf32>
        %add3A_643 = arith.addf %scan3A_608, %get3A_642 : vector<16xf32>
        %get3A_644 = arith.index_cast %scan3A_601 : i32 to index
        %get3A_645 = arith.constant 112 : index
        %get3A_646 = tpu.vector_load %arg6[%get3A_644, %get3A_645] {strides = array<i32>} : memref<200x128xf32, #tpu.memory_space<vmem>>, vector<1x16xf32>,
        %get3A_647 = vector.shape_cast %get3A_646 : vector<1x16xf32> to vector<16xf32>
        %add3A_648 = arith.addf %scan3A_609, %get3A_647 : vector<16xf32>
        scf.yield %add3A_613, %add3A_618, %add3A_623, %add3A_628, %add3A_633, %add3A_638, %add3A_643, %add3A_648 : vector<16xf32>, vector<16xf32>, vector<16xf32>, vector<16xf32>, vector<16xf32>, vector<16xf32>, vector<16xf32>, vector<16xf32>
      }
      %scan3A_109 = arith.constant 200 : i32
      %jit3A = arith.constant 2 : i32
      %eq3A = arith.constant 0 : i32
      %eq3A_110 = arith.cmpi eq, %jit3A, %eq3A : i32
      %jit3A_111 = arith.constant 1 : i32
      %select_n3A = arith.select %eq3A_110, %jit3A_111, %jit3A : i32
      %rem3A = arith.remsi %add3A_88, %select_n3A : i32
      %ne3A = arith.constant 0 : i32
      %ne3A_112 = arith.cmpi ne, %rem3A, %ne3A : i32
      %lt3A = arith.constant 0 : i32
      %lt3A_113 = arith.cmpi slt, %rem3A, %lt3A : i32
      %lt3A_114 = arith.constant 0 : i32
      %lt3A_115 = arith.cmpi slt, %select_n3A, %lt3A_114 : i32
      %ne3A_116 = arith.xori %lt3A_113, %lt3A_115 : i1
      %and3A = arith.andi %ne3A_116, %ne3A_112 : i1
      %add3A_117 = arith.addi %rem3A, %select_n3A : i32
      %select_n3A_118 = arith.select %and3A, %add3A_117, %rem3A : i32
      %mul3A_119 = arith.constant 128 : i32
      %mul3A_120 = arith.muli %select_n3A_118, %mul3A_119 : i32
      %ge3A = arith.constant 2 : i32
      %ge3A_121 = arith.cmpi sge, %add3A_88, %ge3A : i32
      %convert_element_type3A = arith.extui %ge3A_121 : i1 to i32
      %cond3A = arith.constant 0 : i32
      %cond3A_122 = arith.cmpi ne, %convert_element_type3A, %cond3A : i32
      scf.if %cond3A_122 {
        %dma_wait3A_601 = arith.constant 0 : i32
        %dma_wait3A_602 = tpu.memref_slice %arg10[%dma_wait3A_601] : memref<256xf32, #tpu.memory_space<vmem>> -> memref<128xf32, #tpu.memory_space<vmem>>
        %dma_wait3A_603 = arith.constant 0 : i32
        %dma_wait3A_604 = tpu.memref_slice %arg4[%dma_wait3A_603] : memref<524288xf32, #tpu.memory_space<hbm>> -> memref<128xf32, #tpu.memory_space<hbm>>
        %dma_wait3A_605 = arith.constant 0 : i32
        %dma_wait3A_606 = tpu.memref_slice %arg10[%dma_wait3A_605] : memref<256xf32, #tpu.memory_space<vmem>> -> memref<128xf32, #tpu.memory_space<vmem>>
        %dma_wait3A_607 = arith.constant 0 : i32
        %dma_wait3A_608 = tpu.memref_slice %arg4[%dma_wait3A_607] : memref<524288xf32, #tpu.memory_space<hbm>> -> memref<128xf32, #tpu.memory_space<hbm>>
        tpu.wait_dma2 semaphore(%arg15 : memref<!tpu.dma_semaphore, #tpu.memory_space<semaphore_mem>>) src(%dma_wait3A_608 : memref<128xf32, #tpu.memory_space<hbm>>) dst(%dma_wait3A_606 : memref<128xf32, #tpu.memory_space<vmem>>)
      } else {
      }
      %mul3A_123 = vector.broadcast %scan3A_57 : f32 to vector<16xf32>
      %mul3A_124 = arith.mulf %scan3A_108#0, %mul3A_123 : vector<16xf32>
      %add3A_125 = arith.constant 0 : i32
      %add3A_126 = arith.addi %mul3A_120, %add3A_125 : i32
      %swap3A = arith.index_cast %add3A_126 : i32 to index
      %swap3A_127 = tpu.vector_load %arg10[%swap3A] {strides = array<i32>} : memref<256xf32, #tpu.memory_space<vmem>>, vector<16xf32>,
      %swap3A_128 = vector.shape_cast %swap3A_127 : vector<16xf32> to vector<16xf32>
      %swap3A_129 = vector.shape_cast %mul3A_124 : vector<16xf32> to vector<16xf32>
      tpu.vector_store %arg10[%swap3A], %swap3A_129 {strides = array<i32>} : memref<256xf32, #tpu.memory_space<vmem>>, vector<16xf32>,
      %mul3A_130 = vector.broadcast %scan3A_57 : f32 to vector<16xf32>
      %mul3A_131 = arith.mulf %scan3A_108#1, %mul3A_130 : vector<16xf32>
      %add3A_132 = arith.constant 16 : i32
      %add3A_133 = arith.addi %mul3A_120, %add3A_132 : i32
      %swap3A_134 = arith.index_cast %add3A_133 : i32 to index
      %swap3A_135 = tpu.vector_load %arg10[%swap3A_134] {strides = array<i32>} : memref<256xf32, #tpu.memory_space<vmem>>, vector<16xf32>,
      %swap3A_136 = vector.shape_cast %swap3A_135 : vector<16xf32> to vector<16xf32>
      %swap3A_137 = vector.shape_cast %mul3A_131 : vector<16xf32> to vector<16xf32>
      tpu.vector_store %arg10[%swap3A_134], %swap3A_137 {strides = array<i32>} : memref<256xf32, #tpu.memory_space<vmem>>, vector<16xf32>,
      %mul3A_138 = vector.broadcast %scan3A_57 : f32 to vector<16xf32>
      %mul3A_139 = arith.mulf %scan3A_108#2, %mul3A_138 : vector<16xf32>
      %add3A_140 = arith.constant 32 : i32
      %add3A_141 = arith.addi %mul3A_120, %add3A_140 : i32
      %swap3A_142 = arith.index_cast %add3A_141 : i32 to index
      %swap3A_143 = tpu.vector_load %arg10[%swap3A_142] {strides = array<i32>} : memref<256xf32, #tpu.memory_space<vmem>>, vector<16xf32>,
      %swap3A_144 = vector.shape_cast %swap3A_143 : vector<16xf32> to vector<16xf32>
      %swap3A_145 = vector.shape_cast %mul3A_139 : vector<16xf32> to vector<16xf32>
      tpu.vector_store %arg10[%swap3A_142], %swap3A_145 {strides = array<i32>} : memref<256xf32, #tpu.memory_space<vmem>>, vector<16xf32>,
      %mul3A_146 = vector.broadcast %scan3A_57 : f32 to vector<16xf32>
      %mul3A_147 = arith.mulf %scan3A_108#3, %mul3A_146 : vector<16xf32>
      %add3A_148 = arith.constant 48 : i32
      %add3A_149 = arith.addi %mul3A_120, %add3A_148 : i32
      %swap3A_150 = arith.index_cast %add3A_149 : i32 to index
      %swap3A_151 = tpu.vector_load %arg10[%swap3A_150] {strides = array<i32>} : memref<256xf32, #tpu.memory_space<vmem>>, vector<16xf32>,
      %swap3A_152 = vector.shape_cast %swap3A_151 : vector<16xf32> to vector<16xf32>
      %swap3A_153 = vector.shape_cast %mul3A_147 : vector<16xf32> to vector<16xf32>
      tpu.vector_store %arg10[%swap3A_150], %swap3A_153 {strides = array<i32>} : memref<256xf32, #tpu.memory_space<vmem>>, vector<16xf32>,
      %mul3A_154 = vector.broadcast %scan3A_57 : f32 to vector<16xf32>
      %mul3A_155 = arith.mulf %scan3A_108#4, %mul3A_154 : vector<16xf32>
      %add3A_156 = arith.constant 64 : i32
      %add3A_157 = arith.addi %mul3A_120, %add3A_156 : i32
      %swap3A_158 = arith.index_cast %add3A_157 : i32 to index
      %swap3A_159 = tpu.vector_load %arg10[%swap3A_158] {strides = array<i32>} : memref<256xf32, #tpu.memory_space<vmem>>, vector<16xf32>,
      %swap3A_160 = vector.shape_cast %swap3A_159 : vector<16xf32> to vector<16xf32>
      %swap3A_161 = vector.shape_cast %mul3A_155 : vector<16xf32> to vector<16xf32>
      tpu.vector_store %arg10[%swap3A_158], %swap3A_161 {strides = array<i32>} : memref<256xf32, #tpu.memory_space<vmem>>, vector<16xf32>,
      %mul3A_162 = vector.broadcast %scan3A_57 : f32 to vector<16xf32>
      %mul3A_163 = arith.mulf %scan3A_108#5, %mul3A_162 : vector<16xf32>
      %add3A_164 = arith.constant 80 : i32
      %add3A_165 = arith.addi %mul3A_120, %add3A_164 : i32
      %swap3A_166 = arith.index_cast %add3A_165 : i32 to index
      %swap3A_167 = tpu.vector_load %arg10[%swap3A_166] {strides = array<i32>} : memref<256xf32, #tpu.memory_space<vmem>>, vector<16xf32>,
      %swap3A_168 = vector.shape_cast %swap3A_167 : vector<16xf32> to vector<16xf32>
      %swap3A_169 = vector.shape_cast %mul3A_163 : vector<16xf32> to vector<16xf32>
      tpu.vector_store %arg10[%swap3A_166], %swap3A_169 {strides = array<i32>} : memref<256xf32, #tpu.memory_space<vmem>>, vector<16xf32>,
      %mul3A_170 = vector.broadcast %scan3A_57 : f32 to vector<16xf32>
      %mul3A_171 = arith.mulf %scan3A_108#6, %mul3A_170 : vector<16xf32>
      %add3A_172 = arith.constant 96 : i32
      %add3A_173 = arith.addi %mul3A_120, %add3A_172 : i32
      %swap3A_174 = arith.index_cast %add3A_173 : i32 to index
      %swap3A_175 = tpu.vector_load %arg10[%swap3A_174] {strides = array<i32>} : memref<256xf32, #tpu.memory_space<vmem>>, vector<16xf32>,
      %swap3A_176 = vector.shape_cast %swap3A_175 : vector<16xf32> to vector<16xf32>
      %swap3A_177 = vector.shape_cast %mul3A_171 : vector<16xf32> to vector<16xf32>
      tpu.vector_store %arg10[%swap3A_174], %swap3A_177 {strides = array<i32>} : memref<256xf32, #tpu.memory_space<vmem>>, vector<16xf32>,
      %mul3A_178 = vector.broadcast %scan3A_57 : f32 to vector<16xf32>
      %mul3A_179 = arith.mulf %scan3A_108#7, %mul3A_178 : vector<16xf32>
      %add3A_180 = arith.constant 112 : i32
      %add3A_181 = arith.addi %mul3A_120, %add3A_180 : i32
      %swap3A_182 = arith.index_cast %add3A_181 : i32 to index
      %swap3A_183 = tpu.vector_load %arg10[%swap3A_182] {strides = array<i32>} : memref<256xf32, #tpu.memory_space<vmem>>, vector<16xf32>,
      %swap3A_184 = vector.shape_cast %swap3A_183 : vector<16xf32> to vector<16xf32>
      %swap3A_185 = vector.shape_cast %mul3A_179 : vector<16xf32> to vector<16xf32>
      tpu.vector_store %arg10[%swap3A_182], %swap3A_185 {strides = array<i32>} : memref<256xf32, #tpu.memory_space<vmem>>, vector<16xf32>,
      %add3A_186 = arith.addi %mul3A_2, %add3A_88 : i32
      %mul3A_187 = arith.constant 128 : i32
      %mul3A_188 = arith.muli %add3A_186, %mul3A_187 : i32
      %dma_start3A_189 = tpu.memref_slice %arg10[%mul3A_120] : memref<256xf32, #tpu.memory_space<vmem>> -> memref<128xf32, #tpu.memory_space<vmem>>
      %dma_start3A_190 = tpu.memref_slice %arg4[%mul3A_188] : memref<524288xf32, #tpu.memory_space<hbm>> -> memref<128xf32, #tpu.memory_space<hbm>>
      %dma_start3A_191 = tpu.memref_slice %arg4[%mul3A_188] : memref<524288xf32, #tpu.memory_space<hbm>> -> memref<128xf32, #tpu.memory_space<hbm>>
      %dma_start3A_192 = tpu.memref_slice %arg10[%mul3A_120] : memref<256xf32, #tpu.memory_space<vmem>> -> memref<128xf32, #tpu.memory_space<vmem>>
      tpu.enqueue_dma source(%dma_start3A_192 : memref<128xf32, #tpu.memory_space<vmem>>) target(%dma_start3A_191 : memref<128xf32, #tpu.memory_space<hbm>>) target_semaphore(%arg15 : memref<!tpu.dma_semaphore, #tpu.memory_space<semaphore_mem>>)
      %add3A_193 = arith.constant 0 : i32
      %add3A_194 = arith.addi %mul3A_80, %add3A_193 : i32
      %add3A_195 = arith.constant 3 : i32
      %add3A_196 = arith.addi %add3A_194, %add3A_195 : i32
      %lt3A_197 = arith.constant 128 : i32
      %lt3A_198 = arith.cmpi slt, %add3A_196, %lt3A_197 : i32
      %convert_element_type3A_199 = arith.extui %lt3A_198 : i1 to i32
      %cond3A_200 = arith.constant 0 : i32
      %cond3A_201 = arith.cmpi ne, %convert_element_type3A_199, %cond3A_200 : i32
      scf.if %cond3A_201 {
        %mul3A_601 = arith.constant 200 : i32
        %mul3A_602 = arith.muli %add3A_196, %mul3A_601 : i32
        %multiple_of3A_603 = tpu.assume_multiple %mul3A_602, 8 : i32
        %dma_start3A_604 = arith.constant 0 : i32
        %dma_start3A_605 = arith.constant 0 : i32
        %dma_start3A_606 = tpu.memref_slice %arg9[%dma_start3A_604, %dma_start3A_605] : memref<200x128xf32, #tpu.memory_space<vmem>> -> memref<104x128xf32, #tpu.memory_space<vmem>>
        %dma_start3A_607 = tpu.memref_slice %arg5[%multiple_of3A_603] : memref<25600xi32, #tpu.memory_space<vmem>> -> memref<104xi32, #tpu.memory_space<vmem>>
        %dma_start3A_608 = arith.constant 0 : i32
        %dma_start3A_609 = arith.constant 0 : i32
        %dma_start3A_610 = tpu.memref_slice %arg3[%dma_start3A_608, %dma_start3A_609] : memref<100000x128xf32, #tpu.memory_space<hbm>> -> memref<100000x128xf32, #tpu.memory_space<hbm>>
        tpu.enqueue_indirect_dma source(%dma_start3A_610 : memref<100000x128xf32, #tpu.memory_space<hbm>>) target(%dma_start3A_606 : memref<104x128xf32, #tpu.memory_space<vmem>>) offsets(%dma_start3A_607 : memref<104xi32, #tpu.memory_space<vmem>>) semaphore(%arg14 : memref<!tpu.dma_semaphore, #tpu.memory_space<semaphore_mem>>)
        %add3A_611 = arith.constant 104 : i32
        %add3A_612 = arith.addi %multiple_of3A_603, %add3A_611 : i32
        %dma_start3A_613 = arith.constant 104 : i32
        %dma_start3A_614 = arith.constant 0 : i32
        %dma_start3A_615 = tpu.memref_slice %arg9[%dma_start3A_613, %dma_start3A_614] : memref<200x128xf32, #tpu.memory_space<vmem>> -> memref<96x128xf32, #tpu.memory_space<vmem>>
        %dma_start3A_616 = tpu.memref_slice %arg5[%add3A_612] : memref<25600xi32, #tpu.memory_space<vmem>> -> memref<96xi32, #tpu.memory_space<vmem>>
        %dma_start3A_617 = arith.constant 0 : i32
        %dma_start3A_618 = arith.constant 0 : i32
        %dma_start3A_619 = tpu.memref_slice %arg3[%dma_start3A_617, %dma_start3A_618] : memref<100000x128xf32, #tpu.memory_space<hbm>> -> memref<100000x128xf32, #tpu.memory_space<hbm>>
        tpu.enqueue_indirect_dma source(%dma_start3A_619 : memref<100000x128xf32, #tpu.memory_space<hbm>>) target(%dma_start3A_615 : memref<96x128xf32, #tpu.memory_space<vmem>>) offsets(%dma_start3A_616 : memref<96xi32, #tpu.memory_space<vmem>>) semaphore(%arg14 : memref<!tpu.dma_semaphore, #tpu.memory_space<semaphore_mem>>)
      } else {
      }
      %dma_wait3A_202 = arith.constant 0 : i32
      %dma_wait3A_203 = arith.constant 0 : i32
      %dma_wait3A_204 = tpu.memref_slice %arg3[%dma_wait3A_202, %dma_wait3A_203] : memref<100000x128xf32, #tpu.memory_space<hbm>> -> memref<200x128xf32, #tpu.memory_space<hbm>>
      %dma_wait3A_205 = arith.constant 0 : i32
      %dma_wait3A_206 = arith.constant 0 : i32
      %dma_wait3A_207 = tpu.memref_slice %arg3[%dma_wait3A_205, %dma_wait3A_206] : memref<100000x128xf32, #tpu.memory_space<hbm>> -> memref<200x128xf32, #tpu.memory_space<hbm>>
      tpu.wait_dma2 semaphore(%arg12 : memref<!tpu.dma_semaphore, #tpu.memory_space<semaphore_mem>>) src(%dma_wait3A_207 : memref<200x128xf32, #tpu.memory_space<hbm>>) dst(%arg7 : memref<200x128xf32, #tpu.memory_space<vmem>>)
      %add3A_208 = arith.constant 1 : i32
      %add3A_209 = arith.addi %mul3A_80, %add3A_208 : i32
      %broadcast_in_dim3A_210 = arith.constant 0.000000e+00 : f32
      %broadcast_in_dim3A_211 = vector.broadcast %broadcast_in_dim3A_210 : f32 to vector<16xf32>
      %broadcast_in_dim3A_212 = arith.constant 0.000000e+00 : f32
      %broadcast_in_dim3A_213 = vector.broadcast %broadcast_in_dim3A_212 : f32 to vector<16xf32>
      %broadcast_in_dim3A_214 = arith.constant 0.000000e+00 : f32
      %broadcast_in_dim3A_215 = vector.broadcast %broadcast_in_dim3A_214 : f32 to vector<16xf32>
      %broadcast_in_dim3A_216 = arith.constant 0.000000e+00 : f32
      %broadcast_in_dim3A_217 = vector.broadcast %broadcast_in_dim3A_216 : f32 to vector<16xf32>
      %broadcast_in_dim3A_218 = arith.constant 0.000000e+00 : f32
      %broadcast_in_dim3A_219 = vector.broadcast %broadcast_in_dim3A_218 : f32 to vector<16xf32>
      %broadcast_in_dim3A_220 = arith.constant 0.000000e+00 : f32
      %broadcast_in_dim3A_221 = vector.broadcast %broadcast_in_dim3A_220 : f32 to vector<16xf32>
      %broadcast_in_dim3A_222 = arith.constant 0.000000e+00 : f32
      %broadcast_in_dim3A_223 = vector.broadcast %broadcast_in_dim3A_222 : f32 to vector<16xf32>
      %broadcast_in_dim3A_224 = arith.constant 0.000000e+00 : f32
      %broadcast_in_dim3A_225 = vector.broadcast %broadcast_in_dim3A_224 : f32 to vector<16xf32>
      %scan3A_226 = arith.constant 0 : i32
      %scan3A_227 = arith.constant 200 : i32
      %scan3A_228 = arith.addi %scan3A_226, %scan3A_227 : i32
      %scan3A_229 = arith.constant 1 : i32
      %scan3A_230:8 = scf.for %scan3A_601 = %scan3A_226 to %scan3A_228 step %scan3A_229 iter_args(%scan3A_602 = %broadcast_in_dim3A_211, %scan3A_603 = %broadcast_in_dim3A_213, %scan3A_604 = %broadcast_in_dim3A_215, %scan3A_605 = %broadcast_in_dim3A_217, %scan3A_606 = %broadcast_in_dim3A_219, %scan3A_607 = %broadcast_in_dim3A_221, %scan3A_608 = %broadcast_in_dim3A_223, %scan3A_609 = %broadcast_in_dim3A_225) -> (vector<16xf32>, vector<16xf32>, vector<16xf32>, vector<16xf32>, vector<16xf32>, vector<16xf32>, vector<16xf32>, vector<16xf32>)  : i32 {
        %get3A = arith.index_cast %scan3A_601 : i32 to index
        %get3A_610 = arith.constant 0 : index
        %get3A_611 = tpu.vector_load %arg7[%get3A, %get3A_610] {strides = array<i32>} : memref<200x128xf32, #tpu.memory_space<vmem>>, vector<1x16xf32>,
        %get3A_612 = vector.shape_cast %get3A_611 : vector<1x16xf32> to vector<16xf32>
        %add3A_613 = arith.addf %scan3A_602, %get3A_612 : vector<16xf32>
        %get3A_614 = arith.index_cast %scan3A_601 : i32 to index
        %get3A_615 = arith.constant 16 : index
        %get3A_616 = tpu.vector_load %arg7[%get3A_614, %get3A_615] {strides = array<i32>} : memref<200x128xf32, #tpu.memory_space<vmem>>, vector<1x16xf32>,
        %get3A_617 = vector.shape_cast %get3A_616 : vector<1x16xf32> to vector<16xf32>
        %add3A_618 = arith.addf %scan3A_603, %get3A_617 : vector<16xf32>
        %get3A_619 = arith.index_cast %scan3A_601 : i32 to index
        %get3A_620 = arith.constant 32 : index
        %get3A_621 = tpu.vector_load %arg7[%get3A_619, %get3A_620] {strides = array<i32>} : memref<200x128xf32, #tpu.memory_space<vmem>>, vector<1x16xf32>,
        %get3A_622 = vector.shape_cast %get3A_621 : vector<1x16xf32> to vector<16xf32>
        %add3A_623 = arith.addf %scan3A_604, %get3A_622 : vector<16xf32>
        %get3A_624 = arith.index_cast %scan3A_601 : i32 to index
        %get3A_625 = arith.constant 48 : index
        %get3A_626 = tpu.vector_load %arg7[%get3A_624, %get3A_625] {strides = array<i32>} : memref<200x128xf32, #tpu.memory_space<vmem>>, vector<1x16xf32>,
        %get3A_627 = vector.shape_cast %get3A_626 : vector<1x16xf32> to vector<16xf32>
        %add3A_628 = arith.addf %scan3A_605, %get3A_627 : vector<16xf32>
        %get3A_629 = arith.index_cast %scan3A_601 : i32 to index
        %get3A_630 = arith.constant 64 : index
        %get3A_631 = tpu.vector_load %arg7[%get3A_629, %get3A_630] {strides = array<i32>} : memref<200x128xf32, #tpu.memory_space<vmem>>, vector<1x16xf32>,
        %get3A_632 = vector.shape_cast %get3A_631 : vector<1x16xf32> to vector<16xf32>
        %add3A_633 = arith.addf %scan3A_606, %get3A_632 : vector<16xf32>
        %get3A_634 = arith.index_cast %scan3A_601 : i32 to index
        %get3A_635 = arith.constant 80 : index
        %get3A_636 = tpu.vector_load %arg7[%get3A_634, %get3A_635] {strides = array<i32>} : memref<200x128xf32, #tpu.memory_space<vmem>>, vector<1x16xf32>,
        %get3A_637 = vector.shape_cast %get3A_636 : vector<1x16xf32> to vector<16xf32>
        %add3A_638 = arith.addf %scan3A_607, %get3A_637 : vector<16xf32>
        %get3A_639 = arith.index_cast %scan3A_601 : i32 to index
        %get3A_640 = arith.constant 96 : index
        %get3A_641 = tpu.vector_load %arg7[%get3A_639, %get3A_640] {strides = array<i32>} : memref<200x128xf32, #tpu.memory_space<vmem>>, vector<1x16xf32>,
        %get3A_642 = vector.shape_cast %get3A_641 : vector<1x16xf32> to vector<16xf32>
        %add3A_643 = arith.addf %scan3A_608, %get3A_642 : vector<16xf32>
        %get3A_644 = arith.index_cast %scan3A_601 : i32 to index
        %get3A_645 = arith.constant 112 : index
        %get3A_646 = tpu.vector_load %arg7[%get3A_644, %get3A_645] {strides = array<i32>} : memref<200x128xf32, #tpu.memory_space<vmem>>, vector<1x16xf32>,
        %get3A_647 = vector.shape_cast %get3A_646 : vector<1x16xf32> to vector<16xf32>
        %add3A_648 = arith.addf %scan3A_609, %get3A_647 : vector<16xf32>
        scf.yield %add3A_613, %add3A_618, %add3A_623, %add3A_628, %add3A_633, %add3A_638, %add3A_643, %add3A_648 : vector<16xf32>, vector<16xf32>, vector<16xf32>, vector<16xf32>, vector<16xf32>, vector<16xf32>, vector<16xf32>, vector<16xf32>
      }
      %scan3A_231 = arith.constant 200 : i32
      %jit3A_232 = arith.constant 2 : i32
      %eq3A_233 = arith.constant 0 : i32
      %eq3A_234 = arith.cmpi eq, %jit3A_232, %eq3A_233 : i32
      %jit3A_235 = arith.constant 1 : i32
      %select_n3A_236 = arith.select %eq3A_234, %jit3A_235, %jit3A_232 : i32
      %rem3A_237 = arith.remsi %add3A_209, %select_n3A_236 : i32
      %ne3A_238 = arith.constant 0 : i32
      %ne3A_239 = arith.cmpi ne, %rem3A_237, %ne3A_238 : i32
      %lt3A_240 = arith.constant 0 : i32
      %lt3A_241 = arith.cmpi slt, %rem3A_237, %lt3A_240 : i32
      %lt3A_242 = arith.constant 0 : i32
      %lt3A_243 = arith.cmpi slt, %select_n3A_236, %lt3A_242 : i32
      %ne3A_244 = arith.xori %lt3A_241, %lt3A_243 : i1
      %and3A_245 = arith.andi %ne3A_244, %ne3A_239 : i1
      %add3A_246 = arith.addi %rem3A_237, %select_n3A_236 : i32
      %select_n3A_247 = arith.select %and3A_245, %add3A_246, %rem3A_237 : i32
      %mul3A_248 = arith.constant 128 : i32
      %mul3A_249 = arith.muli %select_n3A_247, %mul3A_248 : i32
      %ge3A_250 = arith.constant 2 : i32
      %ge3A_251 = arith.cmpi sge, %add3A_209, %ge3A_250 : i32
      %convert_element_type3A_252 = arith.extui %ge3A_251 : i1 to i32
      %cond3A_253 = arith.constant 0 : i32
      %cond3A_254 = arith.cmpi ne, %convert_element_type3A_252, %cond3A_253 : i32
      scf.if %cond3A_254 {
        %dma_wait3A_601 = arith.constant 0 : i32
        %dma_wait3A_602 = tpu.memref_slice %arg10[%dma_wait3A_601] : memref<256xf32, #tpu.memory_space<vmem>> -> memref<128xf32, #tpu.memory_space<vmem>>
        %dma_wait3A_603 = arith.constant 0 : i32
        %dma_wait3A_604 = tpu.memref_slice %arg4[%dma_wait3A_603] : memref<524288xf32, #tpu.memory_space<hbm>> -> memref<128xf32, #tpu.memory_space<hbm>>
        %dma_wait3A_605 = arith.constant 0 : i32
        %dma_wait3A_606 = tpu.memref_slice %arg10[%dma_wait3A_605] : memref<256xf32, #tpu.memory_space<vmem>> -> memref<128xf32, #tpu.memory_space<vmem>>
        %dma_wait3A_607 = arith.constant 0 : i32
        %dma_wait3A_608 = tpu.memref_slice %arg4[%dma_wait3A_607] : memref<524288xf32, #tpu.memory_space<hbm>> -> memref<128xf32, #tpu.memory_space<hbm>>
        tpu.wait_dma2 semaphore(%arg15 : memref<!tpu.dma_semaphore, #tpu.memory_space<semaphore_mem>>) src(%dma_wait3A_608 : memref<128xf32, #tpu.memory_space<hbm>>) dst(%dma_wait3A_606 : memref<128xf32, #tpu.memory_space<vmem>>)
      } else {
      }
      %mul3A_255 = vector.broadcast %scan3A_57 : f32 to vector<16xf32>
      %mul3A_256 = arith.mulf %scan3A_230#0, %mul3A_255 : vector<16xf32>
      %add3A_257 = arith.constant 0 : i32
      %add3A_258 = arith.addi %mul3A_249, %add3A_257 : i32
      %swap3A_259 = arith.index_cast %add3A_258 : i32 to index
      %swap3A_260 = tpu.vector_load %arg10[%swap3A_259] {strides = array<i32>} : memref<256xf32, #tpu.memory_space<vmem>>, vector<16xf32>,
      %swap3A_261 = vector.shape_cast %swap3A_260 : vector<16xf32> to vector<16xf32>
      %swap3A_262 = vector.shape_cast %mul3A_256 : vector<16xf32> to vector<16xf32>
      tpu.vector_store %arg10[%swap3A_259], %swap3A_262 {strides = array<i32>} : memref<256xf32, #tpu.memory_space<vmem>>, vector<16xf32>,
      %mul3A_263 = vector.broadcast %scan3A_57 : f32 to vector<16xf32>
      %mul3A_264 = arith.mulf %scan3A_230#1, %mul3A_263 : vector<16xf32>
      %add3A_265 = arith.constant 16 : i32
      %add3A_266 = arith.addi %mul3A_249, %add3A_265 : i32
      %swap3A_267 = arith.index_cast %add3A_266 : i32 to index
      %swap3A_268 = tpu.vector_load %arg10[%swap3A_267] {strides = array<i32>} : memref<256xf32, #tpu.memory_space<vmem>>, vector<16xf32>,
      %swap3A_269 = vector.shape_cast %swap3A_268 : vector<16xf32> to vector<16xf32>
      %swap3A_270 = vector.shape_cast %mul3A_264 : vector<16xf32> to vector<16xf32>
      tpu.vector_store %arg10[%swap3A_267], %swap3A_270 {strides = array<i32>} : memref<256xf32, #tpu.memory_space<vmem>>, vector<16xf32>,
      %mul3A_271 = vector.broadcast %scan3A_57 : f32 to vector<16xf32>
      %mul3A_272 = arith.mulf %scan3A_230#2, %mul3A_271 : vector<16xf32>
      %add3A_273 = arith.constant 32 : i32
      %add3A_274 = arith.addi %mul3A_249, %add3A_273 : i32
      %swap3A_275 = arith.index_cast %add3A_274 : i32 to index
      %swap3A_276 = tpu.vector_load %arg10[%swap3A_275] {strides = array<i32>} : memref<256xf32, #tpu.memory_space<vmem>>, vector<16xf32>,
      %swap3A_277 = vector.shape_cast %swap3A_276 : vector<16xf32> to vector<16xf32>
      %swap3A_278 = vector.shape_cast %mul3A_272 : vector<16xf32> to vector<16xf32>
      tpu.vector_store %arg10[%swap3A_275], %swap3A_278 {strides = array<i32>} : memref<256xf32, #tpu.memory_space<vmem>>, vector<16xf32>,
      %mul3A_279 = vector.broadcast %scan3A_57 : f32 to vector<16xf32>
      %mul3A_280 = arith.mulf %scan3A_230#3, %mul3A_279 : vector<16xf32>
      %add3A_281 = arith.constant 48 : i32
      %add3A_282 = arith.addi %mul3A_249, %add3A_281 : i32
      %swap3A_283 = arith.index_cast %add3A_282 : i32 to index
      %swap3A_284 = tpu.vector_load %arg10[%swap3A_283] {strides = array<i32>} : memref<256xf32, #tpu.memory_space<vmem>>, vector<16xf32>,
      %swap3A_285 = vector.shape_cast %swap3A_284 : vector<16xf32> to vector<16xf32>
      %swap3A_286 = vector.shape_cast %mul3A_280 : vector<16xf32> to vector<16xf32>
      tpu.vector_store %arg10[%swap3A_283], %swap3A_286 {strides = array<i32>} : memref<256xf32, #tpu.memory_space<vmem>>, vector<16xf32>,
      %mul3A_287 = vector.broadcast %scan3A_57 : f32 to vector<16xf32>
      %mul3A_288 = arith.mulf %scan3A_230#4, %mul3A_287 : vector<16xf32>
      %add3A_289 = arith.constant 64 : i32
      %add3A_290 = arith.addi %mul3A_249, %add3A_289 : i32
      %swap3A_291 = arith.index_cast %add3A_290 : i32 to index
      %swap3A_292 = tpu.vector_load %arg10[%swap3A_291] {strides = array<i32>} : memref<256xf32, #tpu.memory_space<vmem>>, vector<16xf32>,
      %swap3A_293 = vector.shape_cast %swap3A_292 : vector<16xf32> to vector<16xf32>
      %swap3A_294 = vector.shape_cast %mul3A_288 : vector<16xf32> to vector<16xf32>
      tpu.vector_store %arg10[%swap3A_291], %swap3A_294 {strides = array<i32>} : memref<256xf32, #tpu.memory_space<vmem>>, vector<16xf32>,
      %mul3A_295 = vector.broadcast %scan3A_57 : f32 to vector<16xf32>
      %mul3A_296 = arith.mulf %scan3A_230#5, %mul3A_295 : vector<16xf32>
      %add3A_297 = arith.constant 80 : i32
      %add3A_298 = arith.addi %mul3A_249, %add3A_297 : i32
      %swap3A_299 = arith.index_cast %add3A_298 : i32 to index
      %swap3A_300 = tpu.vector_load %arg10[%swap3A_299] {strides = array<i32>} : memref<256xf32, #tpu.memory_space<vmem>>, vector<16xf32>,
      %swap3A_301 = vector.shape_cast %swap3A_300 : vector<16xf32> to vector<16xf32>
      %swap3A_302 = vector.shape_cast %mul3A_296 : vector<16xf32> to vector<16xf32>
      tpu.vector_store %arg10[%swap3A_299], %swap3A_302 {strides = array<i32>} : memref<256xf32, #tpu.memory_space<vmem>>, vector<16xf32>,
      %mul3A_303 = vector.broadcast %scan3A_57 : f32 to vector<16xf32>
      %mul3A_304 = arith.mulf %scan3A_230#6, %mul3A_303 : vector<16xf32>
      %add3A_305 = arith.constant 96 : i32
      %add3A_306 = arith.addi %mul3A_249, %add3A_305 : i32
      %swap3A_307 = arith.index_cast %add3A_306 : i32 to index
      %swap3A_308 = tpu.vector_load %arg10[%swap3A_307] {strides = array<i32>} : memref<256xf32, #tpu.memory_space<vmem>>, vector<16xf32>,
      %swap3A_309 = vector.shape_cast %swap3A_308 : vector<16xf32> to vector<16xf32>
      %swap3A_310 = vector.shape_cast %mul3A_304 : vector<16xf32> to vector<16xf32>
      tpu.vector_store %arg10[%swap3A_307], %swap3A_310 {strides = array<i32>} : memref<256xf32, #tpu.memory_space<vmem>>, vector<16xf32>,
      %mul3A_311 = vector.broadcast %scan3A_57 : f32 to vector<16xf32>
      %mul3A_312 = arith.mulf %scan3A_230#7, %mul3A_311 : vector<16xf32>
      %add3A_313 = arith.constant 112 : i32
      %add3A_314 = arith.addi %mul3A_249, %add3A_313 : i32
      %swap3A_315 = arith.index_cast %add3A_314 : i32 to index
      %swap3A_316 = tpu.vector_load %arg10[%swap3A_315] {strides = array<i32>} : memref<256xf32, #tpu.memory_space<vmem>>, vector<16xf32>,
      %swap3A_317 = vector.shape_cast %swap3A_316 : vector<16xf32> to vector<16xf32>
      %swap3A_318 = vector.shape_cast %mul3A_312 : vector<16xf32> to vector<16xf32>
      tpu.vector_store %arg10[%swap3A_315], %swap3A_318 {strides = array<i32>} : memref<256xf32, #tpu.memory_space<vmem>>, vector<16xf32>,
      %add3A_319 = arith.addi %mul3A_2, %add3A_209 : i32
      %mul3A_320 = arith.constant 128 : i32
      %mul3A_321 = arith.muli %add3A_319, %mul3A_320 : i32
      %dma_start3A_322 = tpu.memref_slice %arg10[%mul3A_249] : memref<256xf32, #tpu.memory_space<vmem>> -> memref<128xf32, #tpu.memory_space<vmem>>
      %dma_start3A_323 = tpu.memref_slice %arg4[%mul3A_321] : memref<524288xf32, #tpu.memory_space<hbm>> -> memref<128xf32, #tpu.memory_space<hbm>>
      %dma_start3A_324 = tpu.memref_slice %arg4[%mul3A_321] : memref<524288xf32, #tpu.memory_space<hbm>> -> memref<128xf32, #tpu.memory_space<hbm>>
      %dma_start3A_325 = tpu.memref_slice %arg10[%mul3A_249] : memref<256xf32, #tpu.memory_space<vmem>> -> memref<128xf32, #tpu.memory_space<vmem>>
      tpu.enqueue_dma source(%dma_start3A_325 : memref<128xf32, #tpu.memory_space<vmem>>) target(%dma_start3A_324 : memref<128xf32, #tpu.memory_space<hbm>>) target_semaphore(%arg15 : memref<!tpu.dma_semaphore, #tpu.memory_space<semaphore_mem>>)
      %add3A_326 = arith.constant 1 : i32
      %add3A_327 = arith.addi %mul3A_80, %add3A_326 : i32
      %add3A_328 = arith.constant 3 : i32
      %add3A_329 = arith.addi %add3A_327, %add3A_328 : i32
      %lt3A_330 = arith.constant 128 : i32
      %lt3A_331 = arith.cmpi slt, %add3A_329, %lt3A_330 : i32
      %convert_element_type3A_332 = arith.extui %lt3A_331 : i1 to i32
      %cond3A_333 = arith.constant 0 : i32
      %cond3A_334 = arith.cmpi ne, %convert_element_type3A_332, %cond3A_333 : i32
      scf.if %cond3A_334 {
        %mul3A_601 = arith.constant 200 : i32
        %mul3A_602 = arith.muli %add3A_329, %mul3A_601 : i32
        %multiple_of3A_603 = tpu.assume_multiple %mul3A_602, 8 : i32
        %dma_start3A_604 = arith.constant 0 : i32
        %dma_start3A_605 = arith.constant 0 : i32
        %dma_start3A_606 = tpu.memref_slice %arg6[%dma_start3A_604, %dma_start3A_605] : memref<200x128xf32, #tpu.memory_space<vmem>> -> memref<104x128xf32, #tpu.memory_space<vmem>>
        %dma_start3A_607 = tpu.memref_slice %arg5[%multiple_of3A_603] : memref<25600xi32, #tpu.memory_space<vmem>> -> memref<104xi32, #tpu.memory_space<vmem>>
        %dma_start3A_608 = arith.constant 0 : i32
        %dma_start3A_609 = arith.constant 0 : i32
        %dma_start3A_610 = tpu.memref_slice %arg3[%dma_start3A_608, %dma_start3A_609] : memref<100000x128xf32, #tpu.memory_space<hbm>> -> memref<100000x128xf32, #tpu.memory_space<hbm>>
        tpu.enqueue_indirect_dma source(%dma_start3A_610 : memref<100000x128xf32, #tpu.memory_space<hbm>>) target(%dma_start3A_606 : memref<104x128xf32, #tpu.memory_space<vmem>>) offsets(%dma_start3A_607 : memref<104xi32, #tpu.memory_space<vmem>>) semaphore(%arg11 : memref<!tpu.dma_semaphore, #tpu.memory_space<semaphore_mem>>)
        %add3A_611 = arith.constant 104 : i32
        %add3A_612 = arith.addi %multiple_of3A_603, %add3A_611 : i32
        %dma_start3A_613 = arith.constant 104 : i32
        %dma_start3A_614 = arith.constant 0 : i32
        %dma_start3A_615 = tpu.memref_slice %arg6[%dma_start3A_613, %dma_start3A_614] : memref<200x128xf32, #tpu.memory_space<vmem>> -> memref<96x128xf32, #tpu.memory_space<vmem>>
        %dma_start3A_616 = tpu.memref_slice %arg5[%add3A_612] : memref<25600xi32, #tpu.memory_space<vmem>> -> memref<96xi32, #tpu.memory_space<vmem>>
        %dma_start3A_617 = arith.constant 0 : i32
        %dma_start3A_618 = arith.constant 0 : i32
        %dma_start3A_619 = tpu.memref_slice %arg3[%dma_start3A_617, %dma_start3A_618] : memref<100000x128xf32, #tpu.memory_space<hbm>> -> memref<100000x128xf32, #tpu.memory_space<hbm>>
        tpu.enqueue_indirect_dma source(%dma_start3A_619 : memref<100000x128xf32, #tpu.memory_space<hbm>>) target(%dma_start3A_615 : memref<96x128xf32, #tpu.memory_space<vmem>>) offsets(%dma_start3A_616 : memref<96xi32, #tpu.memory_space<vmem>>) semaphore(%arg11 : memref<!tpu.dma_semaphore, #tpu.memory_space<semaphore_mem>>)
      } else {
      }
      %dma_wait3A_335 = arith.constant 0 : i32
      %dma_wait3A_336 = arith.constant 0 : i32
      %dma_wait3A_337 = tpu.memref_slice %arg3[%dma_wait3A_335, %dma_wait3A_336] : memref<100000x128xf32, #tpu.memory_space<hbm>> -> memref<200x128xf32, #tpu.memory_space<hbm>>
      %dma_wait3A_338 = arith.constant 0 : i32
      %dma_wait3A_339 = arith.constant 0 : i32
      %dma_wait3A_340 = tpu.memref_slice %arg3[%dma_wait3A_338, %dma_wait3A_339] : memref<100000x128xf32, #tpu.memory_space<hbm>> -> memref<200x128xf32, #tpu.memory_space<hbm>>
      tpu.wait_dma2 semaphore(%arg13 : memref<!tpu.dma_semaphore, #tpu.memory_space<semaphore_mem>>) src(%dma_wait3A_340 : memref<200x128xf32, #tpu.memory_space<hbm>>) dst(%arg8 : memref<200x128xf32, #tpu.memory_space<vmem>>)
      %add3A_341 = arith.constant 2 : i32
      %add3A_342 = arith.addi %mul3A_80, %add3A_341 : i32
      %broadcast_in_dim3A_343 = arith.constant 0.000000e+00 : f32
      %broadcast_in_dim3A_344 = vector.broadcast %broadcast_in_dim3A_343 : f32 to vector<16xf32>
      %broadcast_in_dim3A_345 = arith.constant 0.000000e+00 : f32
      %broadcast_in_dim3A_346 = vector.broadcast %broadcast_in_dim3A_345 : f32 to vector<16xf32>
      %broadcast_in_dim3A_347 = arith.constant 0.000000e+00 : f32
      %broadcast_in_dim3A_348 = vector.broadcast %broadcast_in_dim3A_347 : f32 to vector<16xf32>
      %broadcast_in_dim3A_349 = arith.constant 0.000000e+00 : f32
      %broadcast_in_dim3A_350 = vector.broadcast %broadcast_in_dim3A_349 : f32 to vector<16xf32>
      %broadcast_in_dim3A_351 = arith.constant 0.000000e+00 : f32
      %broadcast_in_dim3A_352 = vector.broadcast %broadcast_in_dim3A_351 : f32 to vector<16xf32>
      %broadcast_in_dim3A_353 = arith.constant 0.000000e+00 : f32
      %broadcast_in_dim3A_354 = vector.broadcast %broadcast_in_dim3A_353 : f32 to vector<16xf32>
      %broadcast_in_dim3A_355 = arith.constant 0.000000e+00 : f32
      %broadcast_in_dim3A_356 = vector.broadcast %broadcast_in_dim3A_355 : f32 to vector<16xf32>
      %broadcast_in_dim3A_357 = arith.constant 0.000000e+00 : f32
      %broadcast_in_dim3A_358 = vector.broadcast %broadcast_in_dim3A_357 : f32 to vector<16xf32>
      %scan3A_359 = arith.constant 0 : i32
      %scan3A_360 = arith.constant 200 : i32
      %scan3A_361 = arith.addi %scan3A_359, %scan3A_360 : i32
      %scan3A_362 = arith.constant 1 : i32
      %scan3A_363:8 = scf.for %scan3A_601 = %scan3A_359 to %scan3A_361 step %scan3A_362 iter_args(%scan3A_602 = %broadcast_in_dim3A_344, %scan3A_603 = %broadcast_in_dim3A_346, %scan3A_604 = %broadcast_in_dim3A_348, %scan3A_605 = %broadcast_in_dim3A_350, %scan3A_606 = %broadcast_in_dim3A_352, %scan3A_607 = %broadcast_in_dim3A_354, %scan3A_608 = %broadcast_in_dim3A_356, %scan3A_609 = %broadcast_in_dim3A_358) -> (vector<16xf32>, vector<16xf32>, vector<16xf32>, vector<16xf32>, vector<16xf32>, vector<16xf32>, vector<16xf32>, vector<16xf32>)  : i32 {
        %get3A = arith.index_cast %scan3A_601 : i32 to index
        %get3A_610 = arith.constant 0 : index
        %get3A_611 = tpu.vector_load %arg8[%get3A, %get3A_610] {strides = array<i32>} : memref<200x128xf32, #tpu.memory_space<vmem>>, vector<1x16xf32>,
        %get3A_612 = vector.shape_cast %get3A_611 : vector<1x16xf32> to vector<16xf32>
        %add3A_613 = arith.addf %scan3A_602, %get3A_612 : vector<16xf32>
        %get3A_614 = arith.index_cast %scan3A_601 : i32 to index
        %get3A_615 = arith.constant 16 : index
        %get3A_616 = tpu.vector_load %arg8[%get3A_614, %get3A_615] {strides = array<i32>} : memref<200x128xf32, #tpu.memory_space<vmem>>, vector<1x16xf32>,
        %get3A_617 = vector.shape_cast %get3A_616 : vector<1x16xf32> to vector<16xf32>
        %add3A_618 = arith.addf %scan3A_603, %get3A_617 : vector<16xf32>
        %get3A_619 = arith.index_cast %scan3A_601 : i32 to index
        %get3A_620 = arith.constant 32 : index
        %get3A_621 = tpu.vector_load %arg8[%get3A_619, %get3A_620] {strides = array<i32>} : memref<200x128xf32, #tpu.memory_space<vmem>>, vector<1x16xf32>,
        %get3A_622 = vector.shape_cast %get3A_621 : vector<1x16xf32> to vector<16xf32>
        %add3A_623 = arith.addf %scan3A_604, %get3A_622 : vector<16xf32>
        %get3A_624 = arith.index_cast %scan3A_601 : i32 to index
        %get3A_625 = arith.constant 48 : index
        %get3A_626 = tpu.vector_load %arg8[%get3A_624, %get3A_625] {strides = array<i32>} : memref<200x128xf32, #tpu.memory_space<vmem>>, vector<1x16xf32>,
        %get3A_627 = vector.shape_cast %get3A_626 : vector<1x16xf32> to vector<16xf32>
        %add3A_628 = arith.addf %scan3A_605, %get3A_627 : vector<16xf32>
        %get3A_629 = arith.index_cast %scan3A_601 : i32 to index
        %get3A_630 = arith.constant 64 : index
        %get3A_631 = tpu.vector_load %arg8[%get3A_629, %get3A_630] {strides = array<i32>} : memref<200x128xf32, #tpu.memory_space<vmem>>, vector<1x16xf32>,
        %get3A_632 = vector.shape_cast %get3A_631 : vector<1x16xf32> to vector<16xf32>
        %add3A_633 = arith.addf %scan3A_606, %get3A_632 : vector<16xf32>
        %get3A_634 = arith.index_cast %scan3A_601 : i32 to index
        %get3A_635 = arith.constant 80 : index
        %get3A_636 = tpu.vector_load %arg8[%get3A_634, %get3A_635] {strides = array<i32>} : memref<200x128xf32, #tpu.memory_space<vmem>>, vector<1x16xf32>,
        %get3A_637 = vector.shape_cast %get3A_636 : vector<1x16xf32> to vector<16xf32>
        %add3A_638 = arith.addf %scan3A_607, %get3A_637 : vector<16xf32>
        %get3A_639 = arith.index_cast %scan3A_601 : i32 to index
        %get3A_640 = arith.constant 96 : index
        %get3A_641 = tpu.vector_load %arg8[%get3A_639, %get3A_640] {strides = array<i32>} : memref<200x128xf32, #tpu.memory_space<vmem>>, vector<1x16xf32>,
        %get3A_642 = vector.shape_cast %get3A_641 : vector<1x16xf32> to vector<16xf32>
        %add3A_643 = arith.addf %scan3A_608, %get3A_642 : vector<16xf32>
        %get3A_644 = arith.index_cast %scan3A_601 : i32 to index
        %get3A_645 = arith.constant 112 : index
        %get3A_646 = tpu.vector_load %arg8[%get3A_644, %get3A_645] {strides = array<i32>} : memref<200x128xf32, #tpu.memory_space<vmem>>, vector<1x16xf32>,
        %get3A_647 = vector.shape_cast %get3A_646 : vector<1x16xf32> to vector<16xf32>
        %add3A_648 = arith.addf %scan3A_609, %get3A_647 : vector<16xf32>
        scf.yield %add3A_613, %add3A_618, %add3A_623, %add3A_628, %add3A_633, %add3A_638, %add3A_643, %add3A_648 : vector<16xf32>, vector<16xf32>, vector<16xf32>, vector<16xf32>, vector<16xf32>, vector<16xf32>, vector<16xf32>, vector<16xf32>
      }
      %scan3A_364 = arith.constant 200 : i32
      %jit3A_365 = arith.constant 2 : i32
      %eq3A_366 = arith.constant 0 : i32
      %eq3A_367 = arith.cmpi eq, %jit3A_365, %eq3A_366 : i32
      %jit3A_368 = arith.constant 1 : i32
      %select_n3A_369 = arith.select %eq3A_367, %jit3A_368, %jit3A_365 : i32
      %rem3A_370 = arith.remsi %add3A_342, %select_n3A_369 : i32
      %ne3A_371 = arith.constant 0 : i32
      %ne3A_372 = arith.cmpi ne, %rem3A_370, %ne3A_371 : i32
      %lt3A_373 = arith.constant 0 : i32
      %lt3A_374 = arith.cmpi slt, %rem3A_370, %lt3A_373 : i32
      %lt3A_375 = arith.constant 0 : i32
      %lt3A_376 = arith.cmpi slt, %select_n3A_369, %lt3A_375 : i32
      %ne3A_377 = arith.xori %lt3A_374, %lt3A_376 : i1
      %and3A_378 = arith.andi %ne3A_377, %ne3A_372 : i1
      %add3A_379 = arith.addi %rem3A_370, %select_n3A_369 : i32
      %select_n3A_380 = arith.select %and3A_378, %add3A_379, %rem3A_370 : i32
      %mul3A_381 = arith.constant 128 : i32
      %mul3A_382 = arith.muli %select_n3A_380, %mul3A_381 : i32
      %ge3A_383 = arith.constant 2 : i32
      %ge3A_384 = arith.cmpi sge, %add3A_342, %ge3A_383 : i32
      %convert_element_type3A_385 = arith.extui %ge3A_384 : i1 to i32
      %cond3A_386 = arith.constant 0 : i32
      %cond3A_387 = arith.cmpi ne, %convert_element_type3A_385, %cond3A_386 : i32
      scf.if %cond3A_387 {
        %dma_wait3A_601 = arith.constant 0 : i32
        %dma_wait3A_602 = tpu.memref_slice %arg10[%dma_wait3A_601] : memref<256xf32, #tpu.memory_space<vmem>> -> memref<128xf32, #tpu.memory_space<vmem>>
        %dma_wait3A_603 = arith.constant 0 : i32
        %dma_wait3A_604 = tpu.memref_slice %arg4[%dma_wait3A_603] : memref<524288xf32, #tpu.memory_space<hbm>> -> memref<128xf32, #tpu.memory_space<hbm>>
        %dma_wait3A_605 = arith.constant 0 : i32
        %dma_wait3A_606 = tpu.memref_slice %arg10[%dma_wait3A_605] : memref<256xf32, #tpu.memory_space<vmem>> -> memref<128xf32, #tpu.memory_space<vmem>>
        %dma_wait3A_607 = arith.constant 0 : i32
        %dma_wait3A_608 = tpu.memref_slice %arg4[%dma_wait3A_607] : memref<524288xf32, #tpu.memory_space<hbm>> -> memref<128xf32, #tpu.memory_space<hbm>>
        tpu.wait_dma2 semaphore(%arg15 : memref<!tpu.dma_semaphore, #tpu.memory_space<semaphore_mem>>) src(%dma_wait3A_608 : memref<128xf32, #tpu.memory_space<hbm>>) dst(%dma_wait3A_606 : memref<128xf32, #tpu.memory_space<vmem>>)
      } else {
      }
      %mul3A_388 = vector.broadcast %scan3A_57 : f32 to vector<16xf32>
      %mul3A_389 = arith.mulf %scan3A_363#0, %mul3A_388 : vector<16xf32>
      %add3A_390 = arith.constant 0 : i32
      %add3A_391 = arith.addi %mul3A_382, %add3A_390 : i32
      %swap3A_392 = arith.index_cast %add3A_391 : i32 to index
      %swap3A_393 = tpu.vector_load %arg10[%swap3A_392] {strides = array<i32>} : memref<256xf32, #tpu.memory_space<vmem>>, vector<16xf32>,
      %swap3A_394 = vector.shape_cast %swap3A_393 : vector<16xf32> to vector<16xf32>
      %swap3A_395 = vector.shape_cast %mul3A_389 : vector<16xf32> to vector<16xf32>
      tpu.vector_store %arg10[%swap3A_392], %swap3A_395 {strides = array<i32>} : memref<256xf32, #tpu.memory_space<vmem>>, vector<16xf32>,
      %mul3A_396 = vector.broadcast %scan3A_57 : f32 to vector<16xf32>
      %mul3A_397 = arith.mulf %scan3A_363#1, %mul3A_396 : vector<16xf32>
      %add3A_398 = arith.constant 16 : i32
      %add3A_399 = arith.addi %mul3A_382, %add3A_398 : i32
      %swap3A_400 = arith.index_cast %add3A_399 : i32 to index
      %swap3A_401 = tpu.vector_load %arg10[%swap3A_400] {strides = array<i32>} : memref<256xf32, #tpu.memory_space<vmem>>, vector<16xf32>,
      %swap3A_402 = vector.shape_cast %swap3A_401 : vector<16xf32> to vector<16xf32>
      %swap3A_403 = vector.shape_cast %mul3A_397 : vector<16xf32> to vector<16xf32>
      tpu.vector_store %arg10[%swap3A_400], %swap3A_403 {strides = array<i32>} : memref<256xf32, #tpu.memory_space<vmem>>, vector<16xf32>,
      %mul3A_404 = vector.broadcast %scan3A_57 : f32 to vector<16xf32>
      %mul3A_405 = arith.mulf %scan3A_363#2, %mul3A_404 : vector<16xf32>
      %add3A_406 = arith.constant 32 : i32
      %add3A_407 = arith.addi %mul3A_382, %add3A_406 : i32
      %swap3A_408 = arith.index_cast %add3A_407 : i32 to index
      %swap3A_409 = tpu.vector_load %arg10[%swap3A_408] {strides = array<i32>} : memref<256xf32, #tpu.memory_space<vmem>>, vector<16xf32>,
      %swap3A_410 = vector.shape_cast %swap3A_409 : vector<16xf32> to vector<16xf32>
      %swap3A_411 = vector.shape_cast %mul3A_405 : vector<16xf32> to vector<16xf32>
      tpu.vector_store %arg10[%swap3A_408], %swap3A_411 {strides = array<i32>} : memref<256xf32, #tpu.memory_space<vmem>>, vector<16xf32>,
      %mul3A_412 = vector.broadcast %scan3A_57 : f32 to vector<16xf32>
      %mul3A_413 = arith.mulf %scan3A_363#3, %mul3A_412 : vector<16xf32>
      %add3A_414 = arith.constant 48 : i32
      %add3A_415 = arith.addi %mul3A_382, %add3A_414 : i32
      %swap3A_416 = arith.index_cast %add3A_415 : i32 to index
      %swap3A_417 = tpu.vector_load %arg10[%swap3A_416] {strides = array<i32>} : memref<256xf32, #tpu.memory_space<vmem>>, vector<16xf32>,
      %swap3A_418 = vector.shape_cast %swap3A_417 : vector<16xf32> to vector<16xf32>
      %swap3A_419 = vector.shape_cast %mul3A_413 : vector<16xf32> to vector<16xf32>
      tpu.vector_store %arg10[%swap3A_416], %swap3A_419 {strides = array<i32>} : memref<256xf32, #tpu.memory_space<vmem>>, vector<16xf32>,
      %mul3A_420 = vector.broadcast %scan3A_57 : f32 to vector<16xf32>
      %mul3A_421 = arith.mulf %scan3A_363#4, %mul3A_420 : vector<16xf32>
      %add3A_422 = arith.constant 64 : i32
      %add3A_423 = arith.addi %mul3A_382, %add3A_422 : i32
      %swap3A_424 = arith.index_cast %add3A_423 : i32 to index
      %swap3A_425 = tpu.vector_load %arg10[%swap3A_424] {strides = array<i32>} : memref<256xf32, #tpu.memory_space<vmem>>, vector<16xf32>,
      %swap3A_426 = vector.shape_cast %swap3A_425 : vector<16xf32> to vector<16xf32>
      %swap3A_427 = vector.shape_cast %mul3A_421 : vector<16xf32> to vector<16xf32>
      tpu.vector_store %arg10[%swap3A_424], %swap3A_427 {strides = array<i32>} : memref<256xf32, #tpu.memory_space<vmem>>, vector<16xf32>,
      %mul3A_428 = vector.broadcast %scan3A_57 : f32 to vector<16xf32>
      %mul3A_429 = arith.mulf %scan3A_363#5, %mul3A_428 : vector<16xf32>
      %add3A_430 = arith.constant 80 : i32
      %add3A_431 = arith.addi %mul3A_382, %add3A_430 : i32
      %swap3A_432 = arith.index_cast %add3A_431 : i32 to index
      %swap3A_433 = tpu.vector_load %arg10[%swap3A_432] {strides = array<i32>} : memref<256xf32, #tpu.memory_space<vmem>>, vector<16xf32>,
      %swap3A_434 = vector.shape_cast %swap3A_433 : vector<16xf32> to vector<16xf32>
      %swap3A_435 = vector.shape_cast %mul3A_429 : vector<16xf32> to vector<16xf32>
      tpu.vector_store %arg10[%swap3A_432], %swap3A_435 {strides = array<i32>} : memref<256xf32, #tpu.memory_space<vmem>>, vector<16xf32>,
      %mul3A_436 = vector.broadcast %scan3A_57 : f32 to vector<16xf32>
      %mul3A_437 = arith.mulf %scan3A_363#6, %mul3A_436 : vector<16xf32>
      %add3A_438 = arith.constant 96 : i32
      %add3A_439 = arith.addi %mul3A_382, %add3A_438 : i32
      %swap3A_440 = arith.index_cast %add3A_439 : i32 to index
      %swap3A_441 = tpu.vector_load %arg10[%swap3A_440] {strides = array<i32>} : memref<256xf32, #tpu.memory_space<vmem>>, vector<16xf32>,
      %swap3A_442 = vector.shape_cast %swap3A_441 : vector<16xf32> to vector<16xf32>
      %swap3A_443 = vector.shape_cast %mul3A_437 : vector<16xf32> to vector<16xf32>
      tpu.vector_store %arg10[%swap3A_440], %swap3A_443 {strides = array<i32>} : memref<256xf32, #tpu.memory_space<vmem>>, vector<16xf32>,
      %mul3A_444 = vector.broadcast %scan3A_57 : f32 to vector<16xf32>
      %mul3A_445 = arith.mulf %scan3A_363#7, %mul3A_444 : vector<16xf32>
      %add3A_446 = arith.constant 112 : i32
      %add3A_447 = arith.addi %mul3A_382, %add3A_446 : i32
      %swap3A_448 = arith.index_cast %add3A_447 : i32 to index
      %swap3A_449 = tpu.vector_load %arg10[%swap3A_448] {strides = array<i32>} : memref<256xf32, #tpu.memory_space<vmem>>, vector<16xf32>,
      %swap3A_450 = vector.shape_cast %swap3A_449 : vector<16xf32> to vector<16xf32>
      %swap3A_451 = vector.shape_cast %mul3A_445 : vector<16xf32> to vector<16xf32>
      tpu.vector_store %arg10[%swap3A_448], %swap3A_451 {strides = array<i32>} : memref<256xf32, #tpu.memory_space<vmem>>, vector<16xf32>,
      %add3A_452 = arith.addi %mul3A_2, %add3A_342 : i32
      %mul3A_453 = arith.constant 128 : i32
      %mul3A_454 = arith.muli %add3A_452, %mul3A_453 : i32
      %dma_start3A_455 = tpu.memref_slice %arg10[%mul3A_382] : memref<256xf32, #tpu.memory_space<vmem>> -> memref<128xf32, #tpu.memory_space<vmem>>
      %dma_start3A_456 = tpu.memref_slice %arg4[%mul3A_454] : memref<524288xf32, #tpu.memory_space<hbm>> -> memref<128xf32, #tpu.memory_space<hbm>>
      %dma_start3A_457 = tpu.memref_slice %arg4[%mul3A_454] : memref<524288xf32, #tpu.memory_space<hbm>> -> memref<128xf32, #tpu.memory_space<hbm>>
      %dma_start3A_458 = tpu.memref_slice %arg10[%mul3A_382] : memref<256xf32, #tpu.memory_space<vmem>> -> memref<128xf32, #tpu.memory_space<vmem>>
      tpu.enqueue_dma source(%dma_start3A_458 : memref<128xf32, #tpu.memory_space<vmem>>) target(%dma_start3A_457 : memref<128xf32, #tpu.memory_space<hbm>>) target_semaphore(%arg15 : memref<!tpu.dma_semaphore, #tpu.memory_space<semaphore_mem>>)
      %add3A_459 = arith.constant 2 : i32
      %add3A_460 = arith.addi %mul3A_80, %add3A_459 : i32
      %add3A_461 = arith.constant 3 : i32
      %add3A_462 = arith.addi %add3A_460, %add3A_461 : i32
      %lt3A_463 = arith.constant 128 : i32
      %lt3A_464 = arith.cmpi slt, %add3A_462, %lt3A_463 : i32
      %convert_element_type3A_465 = arith.extui %lt3A_464 : i1 to i32
      %cond3A_466 = arith.constant 0 : i32
      %cond3A_467 = arith.cmpi ne, %convert_element_type3A_465, %cond3A_466 : i32
      scf.if %cond3A_467 {
        %mul3A_601 = arith.constant 200 : i32
        %mul3A_602 = arith.muli %add3A_462, %mul3A_601 : i32
        %multiple_of3A_603 = tpu.assume_multiple %mul3A_602, 8 : i32
        %dma_start3A_604 = arith.constant 0 : i32
        %dma_start3A_605 = arith.constant 0 : i32
        %dma_start3A_606 = tpu.memref_slice %arg7[%dma_start3A_604, %dma_start3A_605] : memref<200x128xf32, #tpu.memory_space<vmem>> -> memref<104x128xf32, #tpu.memory_space<vmem>>
        %dma_start3A_607 = tpu.memref_slice %arg5[%multiple_of3A_603] : memref<25600xi32, #tpu.memory_space<vmem>> -> memref<104xi32, #tpu.memory_space<vmem>>
        %dma_start3A_608 = arith.constant 0 : i32
        %dma_start3A_609 = arith.constant 0 : i32
        %dma_start3A_610 = tpu.memref_slice %arg3[%dma_start3A_608, %dma_start3A_609] : memref<100000x128xf32, #tpu.memory_space<hbm>> -> memref<100000x128xf32, #tpu.memory_space<hbm>>
        tpu.enqueue_indirect_dma source(%dma_start3A_610 : memref<100000x128xf32, #tpu.memory_space<hbm>>) target(%dma_start3A_606 : memref<104x128xf32, #tpu.memory_space<vmem>>) offsets(%dma_start3A_607 : memref<104xi32, #tpu.memory_space<vmem>>) semaphore(%arg12 : memref<!tpu.dma_semaphore, #tpu.memory_space<semaphore_mem>>)
        %add3A_611 = arith.constant 104 : i32
        %add3A_612 = arith.addi %multiple_of3A_603, %add3A_611 : i32
        %dma_start3A_613 = arith.constant 104 : i32
        %dma_start3A_614 = arith.constant 0 : i32
        %dma_start3A_615 = tpu.memref_slice %arg7[%dma_start3A_613, %dma_start3A_614] : memref<200x128xf32, #tpu.memory_space<vmem>> -> memref<96x128xf32, #tpu.memory_space<vmem>>
        %dma_start3A_616 = tpu.memref_slice %arg5[%add3A_612] : memref<25600xi32, #tpu.memory_space<vmem>> -> memref<96xi32, #tpu.memory_space<vmem>>
        %dma_start3A_617 = arith.constant 0 : i32
        %dma_start3A_618 = arith.constant 0 : i32
        %dma_start3A_619 = tpu.memref_slice %arg3[%dma_start3A_617, %dma_start3A_618] : memref<100000x128xf32, #tpu.memory_space<hbm>> -> memref<100000x128xf32, #tpu.memory_space<hbm>>
        tpu.enqueue_indirect_dma source(%dma_start3A_619 : memref<100000x128xf32, #tpu.memory_space<hbm>>) target(%dma_start3A_615 : memref<96x128xf32, #tpu.memory_space<vmem>>) offsets(%dma_start3A_616 : memref<96xi32, #tpu.memory_space<vmem>>) semaphore(%arg12 : memref<!tpu.dma_semaphore, #tpu.memory_space<semaphore_mem>>)
      } else {
      }
      %dma_wait3A_468 = arith.constant 0 : i32
      %dma_wait3A_469 = arith.constant 0 : i32
      %dma_wait3A_470 = tpu.memref_slice %arg3[%dma_wait3A_468, %dma_wait3A_469] : memref<100000x128xf32, #tpu.memory_space<hbm>> -> memref<200x128xf32, #tpu.memory_space<hbm>>
      %dma_wait3A_471 = arith.constant 0 : i32
      %dma_wait3A_472 = arith.constant 0 : i32
      %dma_wait3A_473 = tpu.memref_slice %arg3[%dma_wait3A_471, %dma_wait3A_472] : memref<100000x128xf32, #tpu.memory_space<hbm>> -> memref<200x128xf32, #tpu.memory_space<hbm>>
      tpu.wait_dma2 semaphore(%arg14 : memref<!tpu.dma_semaphore, #tpu.memory_space<semaphore_mem>>) src(%dma_wait3A_473 : memref<200x128xf32, #tpu.memory_space<hbm>>) dst(%arg9 : memref<200x128xf32, #tpu.memory_space<vmem>>)
      %add3A_474 = arith.constant 3 : i32
      %add3A_475 = arith.addi %mul3A_80, %add3A_474 : i32
      %broadcast_in_dim3A_476 = arith.constant 0.000000e+00 : f32
      %broadcast_in_dim3A_477 = vector.broadcast %broadcast_in_dim3A_476 : f32 to vector<16xf32>
      %broadcast_in_dim3A_478 = arith.constant 0.000000e+00 : f32
      %broadcast_in_dim3A_479 = vector.broadcast %broadcast_in_dim3A_478 : f32 to vector<16xf32>
      %broadcast_in_dim3A_480 = arith.constant 0.000000e+00 : f32
      %broadcast_in_dim3A_481 = vector.broadcast %broadcast_in_dim3A_480 : f32 to vector<16xf32>
      %broadcast_in_dim3A_482 = arith.constant 0.000000e+00 : f32
      %broadcast_in_dim3A_483 = vector.broadcast %broadcast_in_dim3A_482 : f32 to vector<16xf32>
      %broadcast_in_dim3A_484 = arith.constant 0.000000e+00 : f32
      %broadcast_in_dim3A_485 = vector.broadcast %broadcast_in_dim3A_484 : f32 to vector<16xf32>
      %broadcast_in_dim3A_486 = arith.constant 0.000000e+00 : f32
      %broadcast_in_dim3A_487 = vector.broadcast %broadcast_in_dim3A_486 : f32 to vector<16xf32>
      %broadcast_in_dim3A_488 = arith.constant 0.000000e+00 : f32
      %broadcast_in_dim3A_489 = vector.broadcast %broadcast_in_dim3A_488 : f32 to vector<16xf32>
      %broadcast_in_dim3A_490 = arith.constant 0.000000e+00 : f32
      %broadcast_in_dim3A_491 = vector.broadcast %broadcast_in_dim3A_490 : f32 to vector<16xf32>
      %scan3A_492 = arith.constant 0 : i32
      %scan3A_493 = arith.constant 200 : i32
      %scan3A_494 = arith.addi %scan3A_492, %scan3A_493 : i32
      %scan3A_495 = arith.constant 1 : i32
      %scan3A_496:8 = scf.for %scan3A_601 = %scan3A_492 to %scan3A_494 step %scan3A_495 iter_args(%scan3A_602 = %broadcast_in_dim3A_477, %scan3A_603 = %broadcast_in_dim3A_479, %scan3A_604 = %broadcast_in_dim3A_481, %scan3A_605 = %broadcast_in_dim3A_483, %scan3A_606 = %broadcast_in_dim3A_485, %scan3A_607 = %broadcast_in_dim3A_487, %scan3A_608 = %broadcast_in_dim3A_489, %scan3A_609 = %broadcast_in_dim3A_491) -> (vector<16xf32>, vector<16xf32>, vector<16xf32>, vector<16xf32>, vector<16xf32>, vector<16xf32>, vector<16xf32>, vector<16xf32>)  : i32 {
        %get3A = arith.index_cast %scan3A_601 : i32 to index
        %get3A_610 = arith.constant 0 : index
        %get3A_611 = tpu.vector_load %arg9[%get3A, %get3A_610] {strides = array<i32>} : memref<200x128xf32, #tpu.memory_space<vmem>>, vector<1x16xf32>,
        %get3A_612 = vector.shape_cast %get3A_611 : vector<1x16xf32> to vector<16xf32>
        %add3A_613 = arith.addf %scan3A_602, %get3A_612 : vector<16xf32>
        %get3A_614 = arith.index_cast %scan3A_601 : i32 to index
        %get3A_615 = arith.constant 16 : index
        %get3A_616 = tpu.vector_load %arg9[%get3A_614, %get3A_615] {strides = array<i32>} : memref<200x128xf32, #tpu.memory_space<vmem>>, vector<1x16xf32>,
        %get3A_617 = vector.shape_cast %get3A_616 : vector<1x16xf32> to vector<16xf32>
        %add3A_618 = arith.addf %scan3A_603, %get3A_617 : vector<16xf32>
        %get3A_619 = arith.index_cast %scan3A_601 : i32 to index
        %get3A_620 = arith.constant 32 : index
        %get3A_621 = tpu.vector_load %arg9[%get3A_619, %get3A_620] {strides = array<i32>} : memref<200x128xf32, #tpu.memory_space<vmem>>, vector<1x16xf32>,
        %get3A_622 = vector.shape_cast %get3A_621 : vector<1x16xf32> to vector<16xf32>
        %add3A_623 = arith.addf %scan3A_604, %get3A_622 : vector<16xf32>
        %get3A_624 = arith.index_cast %scan3A_601 : i32 to index
        %get3A_625 = arith.constant 48 : index
        %get3A_626 = tpu.vector_load %arg9[%get3A_624, %get3A_625] {strides = array<i32>} : memref<200x128xf32, #tpu.memory_space<vmem>>, vector<1x16xf32>,
        %get3A_627 = vector.shape_cast %get3A_626 : vector<1x16xf32> to vector<16xf32>
        %add3A_628 = arith.addf %scan3A_605, %get3A_627 : vector<16xf32>
        %get3A_629 = arith.index_cast %scan3A_601 : i32 to index
        %get3A_630 = arith.constant 64 : index
        %get3A_631 = tpu.vector_load %arg9[%get3A_629, %get3A_630] {strides = array<i32>} : memref<200x128xf32, #tpu.memory_space<vmem>>, vector<1x16xf32>,
        %get3A_632 = vector.shape_cast %get3A_631 : vector<1x16xf32> to vector<16xf32>
        %add3A_633 = arith.addf %scan3A_606, %get3A_632 : vector<16xf32>
        %get3A_634 = arith.index_cast %scan3A_601 : i32 to index
        %get3A_635 = arith.constant 80 : index
        %get3A_636 = tpu.vector_load %arg9[%get3A_634, %get3A_635] {strides = array<i32>} : memref<200x128xf32, #tpu.memory_space<vmem>>, vector<1x16xf32>,
        %get3A_637 = vector.shape_cast %get3A_636 : vector<1x16xf32> to vector<16xf32>
        %add3A_638 = arith.addf %scan3A_607, %get3A_637 : vector<16xf32>
        %get3A_639 = arith.index_cast %scan3A_601 : i32 to index
        %get3A_640 = arith.constant 96 : index
        %get3A_641 = tpu.vector_load %arg9[%get3A_639, %get3A_640] {strides = array<i32>} : memref<200x128xf32, #tpu.memory_space<vmem>>, vector<1x16xf32>,
        %get3A_642 = vector.shape_cast %get3A_641 : vector<1x16xf32> to vector<16xf32>
        %add3A_643 = arith.addf %scan3A_608, %get3A_642 : vector<16xf32>
        %get3A_644 = arith.index_cast %scan3A_601 : i32 to index
        %get3A_645 = arith.constant 112 : index
        %get3A_646 = tpu.vector_load %arg9[%get3A_644, %get3A_645] {strides = array<i32>} : memref<200x128xf32, #tpu.memory_space<vmem>>, vector<1x16xf32>,
        %get3A_647 = vector.shape_cast %get3A_646 : vector<1x16xf32> to vector<16xf32>
        %add3A_648 = arith.addf %scan3A_609, %get3A_647 : vector<16xf32>
        scf.yield %add3A_613, %add3A_618, %add3A_623, %add3A_628, %add3A_633, %add3A_638, %add3A_643, %add3A_648 : vector<16xf32>, vector<16xf32>, vector<16xf32>, vector<16xf32>, vector<16xf32>, vector<16xf32>, vector<16xf32>, vector<16xf32>
      }
      %scan3A_497 = arith.constant 200 : i32
      %jit3A_498 = arith.constant 2 : i32
      %eq3A_499 = arith.constant 0 : i32
      %eq3A_500 = arith.cmpi eq, %jit3A_498, %eq3A_499 : i32
      %jit3A_501 = arith.constant 1 : i32
      %select_n3A_502 = arith.select %eq3A_500, %jit3A_501, %jit3A_498 : i32
      %rem3A_503 = arith.remsi %add3A_475, %select_n3A_502 : i32
      %ne3A_504 = arith.constant 0 : i32
      %ne3A_505 = arith.cmpi ne, %rem3A_503, %ne3A_504 : i32
      %lt3A_506 = arith.constant 0 : i32
      %lt3A_507 = arith.cmpi slt, %rem3A_503, %lt3A_506 : i32
      %lt3A_508 = arith.constant 0 : i32
      %lt3A_509 = arith.cmpi slt, %select_n3A_502, %lt3A_508 : i32
      %ne3A_510 = arith.xori %lt3A_507, %lt3A_509 : i1
      %and3A_511 = arith.andi %ne3A_510, %ne3A_505 : i1
      %add3A_512 = arith.addi %rem3A_503, %select_n3A_502 : i32
      %select_n3A_513 = arith.select %and3A_511, %add3A_512, %rem3A_503 : i32
      %mul3A_514 = arith.constant 128 : i32
      %mul3A_515 = arith.muli %select_n3A_513, %mul3A_514 : i32
      %ge3A_516 = arith.constant 2 : i32
      %ge3A_517 = arith.cmpi sge, %add3A_475, %ge3A_516 : i32
      %convert_element_type3A_518 = arith.extui %ge3A_517 : i1 to i32
      %cond3A_519 = arith.constant 0 : i32
      %cond3A_520 = arith.cmpi ne, %convert_element_type3A_518, %cond3A_519 : i32
      scf.if %cond3A_520 {
        %dma_wait3A_601 = arith.constant 0 : i32
        %dma_wait3A_602 = tpu.memref_slice %arg10[%dma_wait3A_601] : memref<256xf32, #tpu.memory_space<vmem>> -> memref<128xf32, #tpu.memory_space<vmem>>
        %dma_wait3A_603 = arith.constant 0 : i32
        %dma_wait3A_604 = tpu.memref_slice %arg4[%dma_wait3A_603] : memref<524288xf32, #tpu.memory_space<hbm>> -> memref<128xf32, #tpu.memory_space<hbm>>
        %dma_wait3A_605 = arith.constant 0 : i32
        %dma_wait3A_606 = tpu.memref_slice %arg10[%dma_wait3A_605] : memref<256xf32, #tpu.memory_space<vmem>> -> memref<128xf32, #tpu.memory_space<vmem>>
        %dma_wait3A_607 = arith.constant 0 : i32
        %dma_wait3A_608 = tpu.memref_slice %arg4[%dma_wait3A_607] : memref<524288xf32, #tpu.memory_space<hbm>> -> memref<128xf32, #tpu.memory_space<hbm>>
        tpu.wait_dma2 semaphore(%arg15 : memref<!tpu.dma_semaphore, #tpu.memory_space<semaphore_mem>>) src(%dma_wait3A_608 : memref<128xf32, #tpu.memory_space<hbm>>) dst(%dma_wait3A_606 : memref<128xf32, #tpu.memory_space<vmem>>)
      } else {
      }
      %mul3A_521 = vector.broadcast %scan3A_57 : f32 to vector<16xf32>
      %mul3A_522 = arith.mulf %scan3A_496#0, %mul3A_521 : vector<16xf32>
      %add3A_523 = arith.constant 0 : i32
      %add3A_524 = arith.addi %mul3A_515, %add3A_523 : i32
      %swap3A_525 = arith.index_cast %add3A_524 : i32 to index
      %swap3A_526 = tpu.vector_load %arg10[%swap3A_525] {strides = array<i32>} : memref<256xf32, #tpu.memory_space<vmem>>, vector<16xf32>,
      %swap3A_527 = vector.shape_cast %swap3A_526 : vector<16xf32> to vector<16xf32>
      %swap3A_528 = vector.shape_cast %mul3A_522 : vector<16xf32> to vector<16xf32>
      tpu.vector_store %arg10[%swap3A_525], %swap3A_528 {strides = array<i32>} : memref<256xf32, #tpu.memory_space<vmem>>, vector<16xf32>,
      %mul3A_529 = vector.broadcast %scan3A_57 : f32 to vector<16xf32>
      %mul3A_530 = arith.mulf %scan3A_496#1, %mul3A_529 : vector<16xf32>
      %add3A_531 = arith.constant 16 : i32
      %add3A_532 = arith.addi %mul3A_515, %add3A_531 : i32
      %swap3A_533 = arith.index_cast %add3A_532 : i32 to index
      %swap3A_534 = tpu.vector_load %arg10[%swap3A_533] {strides = array<i32>} : memref<256xf32, #tpu.memory_space<vmem>>, vector<16xf32>,
      %swap3A_535 = vector.shape_cast %swap3A_534 : vector<16xf32> to vector<16xf32>
      %swap3A_536 = vector.shape_cast %mul3A_530 : vector<16xf32> to vector<16xf32>
      tpu.vector_store %arg10[%swap3A_533], %swap3A_536 {strides = array<i32>} : memref<256xf32, #tpu.memory_space<vmem>>, vector<16xf32>,
      %mul3A_537 = vector.broadcast %scan3A_57 : f32 to vector<16xf32>
      %mul3A_538 = arith.mulf %scan3A_496#2, %mul3A_537 : vector<16xf32>
      %add3A_539 = arith.constant 32 : i32
      %add3A_540 = arith.addi %mul3A_515, %add3A_539 : i32
      %swap3A_541 = arith.index_cast %add3A_540 : i32 to index
      %swap3A_542 = tpu.vector_load %arg10[%swap3A_541] {strides = array<i32>} : memref<256xf32, #tpu.memory_space<vmem>>, vector<16xf32>,
      %swap3A_543 = vector.shape_cast %swap3A_542 : vector<16xf32> to vector<16xf32>
      %swap3A_544 = vector.shape_cast %mul3A_538 : vector<16xf32> to vector<16xf32>
      tpu.vector_store %arg10[%swap3A_541], %swap3A_544 {strides = array<i32>} : memref<256xf32, #tpu.memory_space<vmem>>, vector<16xf32>,
      %mul3A_545 = vector.broadcast %scan3A_57 : f32 to vector<16xf32>
      %mul3A_546 = arith.mulf %scan3A_496#3, %mul3A_545 : vector<16xf32>
      %add3A_547 = arith.constant 48 : i32
      %add3A_548 = arith.addi %mul3A_515, %add3A_547 : i32
      %swap3A_549 = arith.index_cast %add3A_548 : i32 to index
      %swap3A_550 = tpu.vector_load %arg10[%swap3A_549] {strides = array<i32>} : memref<256xf32, #tpu.memory_space<vmem>>, vector<16xf32>,
      %swap3A_551 = vector.shape_cast %swap3A_550 : vector<16xf32> to vector<16xf32>
      %swap3A_552 = vector.shape_cast %mul3A_546 : vector<16xf32> to vector<16xf32>
      tpu.vector_store %arg10[%swap3A_549], %swap3A_552 {strides = array<i32>} : memref<256xf32, #tpu.memory_space<vmem>>, vector<16xf32>,
      %mul3A_553 = vector.broadcast %scan3A_57 : f32 to vector<16xf32>
      %mul3A_554 = arith.mulf %scan3A_496#4, %mul3A_553 : vector<16xf32>
      %add3A_555 = arith.constant 64 : i32
      %add3A_556 = arith.addi %mul3A_515, %add3A_555 : i32
      %swap3A_557 = arith.index_cast %add3A_556 : i32 to index
      %swap3A_558 = tpu.vector_load %arg10[%swap3A_557] {strides = array<i32>} : memref<256xf32, #tpu.memory_space<vmem>>, vector<16xf32>,
      %swap3A_559 = vector.shape_cast %swap3A_558 : vector<16xf32> to vector<16xf32>
      %swap3A_560 = vector.shape_cast %mul3A_554 : vector<16xf32> to vector<16xf32>
      tpu.vector_store %arg10[%swap3A_557], %swap3A_560 {strides = array<i32>} : memref<256xf32, #tpu.memory_space<vmem>>, vector<16xf32>,
      %mul3A_561 = vector.broadcast %scan3A_57 : f32 to vector<16xf32>
      %mul3A_562 = arith.mulf %scan3A_496#5, %mul3A_561 : vector<16xf32>
      %add3A_563 = arith.constant 80 : i32
      %add3A_564 = arith.addi %mul3A_515, %add3A_563 : i32
      %swap3A_565 = arith.index_cast %add3A_564 : i32 to index
      %swap3A_566 = tpu.vector_load %arg10[%swap3A_565] {strides = array<i32>} : memref<256xf32, #tpu.memory_space<vmem>>, vector<16xf32>,
      %swap3A_567 = vector.shape_cast %swap3A_566 : vector<16xf32> to vector<16xf32>
      %swap3A_568 = vector.shape_cast %mul3A_562 : vector<16xf32> to vector<16xf32>
      tpu.vector_store %arg10[%swap3A_565], %swap3A_568 {strides = array<i32>} : memref<256xf32, #tpu.memory_space<vmem>>, vector<16xf32>,
      %mul3A_569 = vector.broadcast %scan3A_57 : f32 to vector<16xf32>
      %mul3A_570 = arith.mulf %scan3A_496#6, %mul3A_569 : vector<16xf32>
      %add3A_571 = arith.constant 96 : i32
      %add3A_572 = arith.addi %mul3A_515, %add3A_571 : i32
      %swap3A_573 = arith.index_cast %add3A_572 : i32 to index
      %swap3A_574 = tpu.vector_load %arg10[%swap3A_573] {strides = array<i32>} : memref<256xf32, #tpu.memory_space<vmem>>, vector<16xf32>,
      %swap3A_575 = vector.shape_cast %swap3A_574 : vector<16xf32> to vector<16xf32>
      %swap3A_576 = vector.shape_cast %mul3A_570 : vector<16xf32> to vector<16xf32>
      tpu.vector_store %arg10[%swap3A_573], %swap3A_576 {strides = array<i32>} : memref<256xf32, #tpu.memory_space<vmem>>, vector<16xf32>,
      %mul3A_577 = vector.broadcast %scan3A_57 : f32 to vector<16xf32>
      %mul3A_578 = arith.mulf %scan3A_496#7, %mul3A_577 : vector<16xf32>
      %add3A_579 = arith.constant 112 : i32
      %add3A_580 = arith.addi %mul3A_515, %add3A_579 : i32
      %swap3A_581 = arith.index_cast %add3A_580 : i32 to index
      %swap3A_582 = tpu.vector_load %arg10[%swap3A_581] {strides = array<i32>} : memref<256xf32, #tpu.memory_space<vmem>>, vector<16xf32>,
      %swap3A_583 = vector.shape_cast %swap3A_582 : vector<16xf32> to vector<16xf32>
      %swap3A_584 = vector.shape_cast %mul3A_578 : vector<16xf32> to vector<16xf32>
      tpu.vector_store %arg10[%swap3A_581], %swap3A_584 {strides = array<i32>} : memref<256xf32, #tpu.memory_space<vmem>>, vector<16xf32>,
      %add3A_585 = arith.addi %mul3A_2, %add3A_475 : i32
      %mul3A_586 = arith.constant 128 : i32
      %mul3A_587 = arith.muli %add3A_585, %mul3A_586 : i32
      %dma_start3A_588 = tpu.memref_slice %arg10[%mul3A_515] : memref<256xf32, #tpu.memory_space<vmem>> -> memref<128xf32, #tpu.memory_space<vmem>>
      %dma_start3A_589 = tpu.memref_slice %arg4[%mul3A_587] : memref<524288xf32, #tpu.memory_space<hbm>> -> memref<128xf32, #tpu.memory_space<hbm>>
      %dma_start3A_590 = tpu.memref_slice %arg4[%mul3A_587] : memref<524288xf32, #tpu.memory_space<hbm>> -> memref<128xf32, #tpu.memory_space<hbm>>
      %dma_start3A_591 = tpu.memref_slice %arg10[%mul3A_515] : memref<256xf32, #tpu.memory_space<vmem>> -> memref<128xf32, #tpu.memory_space<vmem>>
      tpu.enqueue_dma source(%dma_start3A_591 : memref<128xf32, #tpu.memory_space<vmem>>) target(%dma_start3A_590 : memref<128xf32, #tpu.memory_space<hbm>>) target_semaphore(%arg15 : memref<!tpu.dma_semaphore, #tpu.memory_space<semaphore_mem>>)
      %add3A_592 = arith.constant 3 : i32
      %add3A_593 = arith.addi %mul3A_80, %add3A_592 : i32
      %add3A_594 = arith.constant 3 : i32
      %add3A_595 = arith.addi %add3A_593, %add3A_594 : i32
      %lt3A_596 = arith.constant 128 : i32
      %lt3A_597 = arith.cmpi slt, %add3A_595, %lt3A_596 : i32
      %convert_element_type3A_598 = arith.extui %lt3A_597 : i1 to i32
      %cond3A_599 = arith.constant 0 : i32
      %cond3A_600 = arith.cmpi ne, %convert_element_type3A_598, %cond3A_599 : i32
      scf.if %cond3A_600 {
        %mul3A_601 = arith.constant 200 : i32
        %mul3A_602 = arith.muli %add3A_595, %mul3A_601 : i32
        %multiple_of3A_603 = tpu.assume_multiple %mul3A_602, 8 : i32
        %dma_start3A_604 = arith.constant 0 : i32
        %dma_start3A_605 = arith.constant 0 : i32
        %dma_start3A_606 = tpu.memref_slice %arg8[%dma_start3A_604, %dma_start3A_605] : memref<200x128xf32, #tpu.memory_space<vmem>> -> memref<104x128xf32, #tpu.memory_space<vmem>>
        %dma_start3A_607 = tpu.memref_slice %arg5[%multiple_of3A_603] : memref<25600xi32, #tpu.memory_space<vmem>> -> memref<104xi32, #tpu.memory_space<vmem>>
        %dma_start3A_608 = arith.constant 0 : i32
        %dma_start3A_609 = arith.constant 0 : i32
        %dma_start3A_610 = tpu.memref_slice %arg3[%dma_start3A_608, %dma_start3A_609] : memref<100000x128xf32, #tpu.memory_space<hbm>> -> memref<100000x128xf32, #tpu.memory_space<hbm>>
        tpu.enqueue_indirect_dma source(%dma_start3A_610 : memref<100000x128xf32, #tpu.memory_space<hbm>>) target(%dma_start3A_606 : memref<104x128xf32, #tpu.memory_space<vmem>>) offsets(%dma_start3A_607 : memref<104xi32, #tpu.memory_space<vmem>>) semaphore(%arg13 : memref<!tpu.dma_semaphore, #tpu.memory_space<semaphore_mem>>)
        %add3A_611 = arith.constant 104 : i32
        %add3A_612 = arith.addi %multiple_of3A_603, %add3A_611 : i32
        %dma_start3A_613 = arith.constant 104 : i32
        %dma_start3A_614 = arith.constant 0 : i32
        %dma_start3A_615 = tpu.memref_slice %arg8[%dma_start3A_613, %dma_start3A_614] : memref<200x128xf32, #tpu.memory_space<vmem>> -> memref<96x128xf32, #tpu.memory_space<vmem>>
        %dma_start3A_616 = tpu.memref_slice %arg5[%add3A_612] : memref<25600xi32, #tpu.memory_space<vmem>> -> memref<96xi32, #tpu.memory_space<vmem>>
        %dma_start3A_617 = arith.constant 0 : i32
        %dma_start3A_618 = arith.constant 0 : i32
        %dma_start3A_619 = tpu.memref_slice %arg3[%dma_start3A_617, %dma_start3A_618] : memref<100000x128xf32, #tpu.memory_space<hbm>> -> memref<100000x128xf32, #tpu.memory_space<hbm>>
        tpu.enqueue_indirect_dma source(%dma_start3A_619 : memref<100000x128xf32, #tpu.memory_space<hbm>>) target(%dma_start3A_615 : memref<96x128xf32, #tpu.memory_space<vmem>>) offsets(%dma_start3A_616 : memref<96xi32, #tpu.memory_space<vmem>>) semaphore(%arg13 : memref<!tpu.dma_semaphore, #tpu.memory_space<semaphore_mem>>)
      } else {
      }
    }
    %scan3A_62 = arith.constant 32 : i32
    %dma_wait3A = arith.constant 0 : i32
    %dma_wait3A_63 = tpu.memref_slice %arg10[%dma_wait3A] : memref<256xf32, #tpu.memory_space<vmem>> -> memref<128xf32, #tpu.memory_space<vmem>>
    %dma_wait3A_64 = arith.constant 0 : i32
    %dma_wait3A_65 = tpu.memref_slice %arg4[%dma_wait3A_64] : memref<524288xf32, #tpu.memory_space<hbm>> -> memref<128xf32, #tpu.memory_space<hbm>>
    %dma_wait3A_66 = arith.constant 0 : i32
    %dma_wait3A_67 = tpu.memref_slice %arg10[%dma_wait3A_66] : memref<256xf32, #tpu.memory_space<vmem>> -> memref<128xf32, #tpu.memory_space<vmem>>
    %dma_wait3A_68 = arith.constant 0 : i32
    %dma_wait3A_69 = tpu.memref_slice %arg4[%dma_wait3A_68] : memref<524288xf32, #tpu.memory_space<hbm>> -> memref<128xf32, #tpu.memory_space<hbm>>
    tpu.wait_dma2 semaphore(%arg15 : memref<!tpu.dma_semaphore, #tpu.memory_space<semaphore_mem>>) src(%dma_wait3A_69 : memref<128xf32, #tpu.memory_space<hbm>>) dst(%dma_wait3A_67 : memref<128xf32, #tpu.memory_space<vmem>>)
    %dma_wait3A_70 = arith.constant 0 : i32
    %dma_wait3A_71 = tpu.memref_slice %arg10[%dma_wait3A_70] : memref<256xf32, #tpu.memory_space<vmem>> -> memref<128xf32, #tpu.memory_space<vmem>>
    %dma_wait3A_72 = arith.constant 0 : i32
    %dma_wait3A_73 = tpu.memref_slice %arg4[%dma_wait3A_72] : memref<524288xf32, #tpu.memory_space<hbm>> -> memref<128xf32, #tpu.memory_space<hbm>>
    %dma_wait3A_74 = arith.constant 0 : i32
    %dma_wait3A_75 = tpu.memref_slice %arg10[%dma_wait3A_74] : memref<256xf32, #tpu.memory_space<vmem>> -> memref<128xf32, #tpu.memory_space<vmem>>
    %dma_wait3A_76 = arith.constant 0 : i32
    %dma_wait3A_77 = tpu.memref_slice %arg4[%dma_wait3A_76] : memref<524288xf32, #tpu.memory_space<hbm>> -> memref<128xf32, #tpu.memory_space<hbm>>
    tpu.wait_dma2 semaphore(%arg15 : memref<!tpu.dma_semaphore, #tpu.memory_space<semaphore_mem>>) src(%dma_wait3A_77 : memref<128xf32, #tpu.memory_space<hbm>>) dst(%dma_wait3A_75 : memref<128xf32, #tpu.memory_space<vmem>>)
    return
  }
}

module attributes {stable_mosaic.version = 14 : i64} {
  func.func @_mlp_body(%arg0: i32, %arg1: memref<512x128xf32, #tpu.memory_space<vmem>>, %arg2: memref<128x512xf32, #tpu.memory_space<vmem>>, %arg3: memref<1x512xf32, #tpu.memory_space<vmem>>, %arg4: memref<512x1000xf32, #tpu.memory_space<vmem>>, %arg5: memref<1x1000xf32, #tpu.memory_space<vmem>>, %arg6: memref<512x1000xf32, #tpu.memory_space<vmem>>) attributes {dimension_semantics = [#tpu.dimension_semantics<arbitrary>], iteration_bounds = array<i64: 8>, scalar_prefetch = 0 : i64, scratch_operands = 0 : i64, tpu.core_type = #tpu.core_type<tc>, window_params = [{transform_indices = @transform_0, window_bounds = array<i64: 512, 128>}, {pipeline_mode = #tpu.pipeline_mode<synchronous>, transform_indices = @transform_1, window_bounds = array<i64: 128, 512>}, {pipeline_mode = #tpu.pipeline_mode<synchronous>, transform_indices = @transform_2, window_bounds = array<i64: 1, 512>}, {pipeline_mode = #tpu.pipeline_mode<synchronous>, transform_indices = @transform_3, window_bounds = array<i64: 512, 1000>}, {pipeline_mode = #tpu.pipeline_mode<synchronous>, transform_indices = @transform_4, window_bounds = array<i64: 1, 1000>}, {transform_indices = @transform_5, window_bounds = array<i64: 512, 1000>}]} {
    %get3A = arith.constant 0 : index
    %get3A_0 = arith.constant 0 : index
    %get3A_1 = vector.load %arg1[%get3A, %get3A_0] : memref<512x128xf32, #tpu.memory_space<vmem>>, vector<512x128xf32>
    %get3A_2 = arith.constant 0 : index
    %get3A_3 = arith.constant 0 : index
    %get3A_4 = vector.load %arg2[%get3A_2, %get3A_3] : memref<128x512xf32, #tpu.memory_space<vmem>>, vector<128x512xf32>
    %dot_general3A = arith.constant dense<0.000000e+00> : vector<512x512xf32>
    %dot_general3A_5 = tpu.matmul %get3A_1, %get3A_4, %dot_general3A {dimension_numbers = #tpu.dot_dimension_numbers<[1], [0], [0], [1], [0, 0, 1, 1], [], []>, transpose_lhs_hint = false} : vector<512x128xf32>, vector<128x512xf32>, vector<512x512xf32> -> vector<512x512xf32>
    %get3A_6 = arith.constant 0 : index
    %get3A_7 = arith.constant 0 : index
    %get3A_8 = vector.load %arg3[%get3A_6, %get3A_7] : memref<1x512xf32, #tpu.memory_space<vmem>>, vector<1x512xf32>
    %add3A = vector.broadcast %get3A_8 : vector<1x512xf32> to vector<512x512xf32>
    %add3A_9 = arith.addf %dot_general3A_5, %add3A : vector<512x512xf32>
    %max3A = arith.constant 0.000000e+00 : f32
    %max3A_10 = vector.broadcast %max3A : f32 to vector<512x512xf32>
    %max3A_11 = arith.maximumf %add3A_9, %max3A_10 : vector<512x512xf32>
    %get3A_12 = arith.constant 0 : index
    %get3A_13 = arith.constant 0 : index
    %get3A_14 = vector.load %arg4[%get3A_12, %get3A_13] : memref<512x1000xf32, #tpu.memory_space<vmem>>, vector<512x1000xf32>
    %dot_general3A_15 = arith.constant dense<0.000000e+00> : vector<512x1000xf32>
    %dot_general3A_16 = tpu.matmul %max3A_11, %get3A_14, %dot_general3A_15 {dimension_numbers = #tpu.dot_dimension_numbers<[1], [0], [0], [1], [0, 0, 1, 1], [], []>, transpose_lhs_hint = false} : vector<512x512xf32>, vector<512x1000xf32>, vector<512x1000xf32> -> vector<512x1000xf32>
    %get3A_17 = arith.constant 0 : index
    %get3A_18 = arith.constant 0 : index
    %get3A_19 = vector.load %arg5[%get3A_17, %get3A_18] : memref<1x1000xf32, #tpu.memory_space<vmem>>, vector<1x1000xf32>
    %add3A_20 = vector.broadcast %get3A_19 : vector<1x1000xf32> to vector<512x1000xf32>
    %add3A_21 = arith.addf %dot_general3A_16, %add3A_20 : vector<512x1000xf32>
    %swap3A = arith.constant 0 : index
    %swap3A_22 = arith.constant 0 : index
    %swap3A_23 = vector.load %arg6[%swap3A, %swap3A_22] : memref<512x1000xf32, #tpu.memory_space<vmem>>, vector<512x1000xf32>
    tpu.vector_store %arg6[%swap3A, %swap3A_22], %add3A_21 {strides = array<i32>} : memref<512x1000xf32, #tpu.memory_space<vmem>>, vector<512x1000xf32>,
    return
  }
  func.func @transform_0(%arg0: i32) -> (i32, i32) {
    %c0_i32 = arith.constant 0 : i32
    %c0_i32_0 = arith.constant 0 : i32
    return %arg0, %c0_i32 : i32, i32
  }
  func.func @transform_1(%arg0: i32) -> (i32, i32) {
    %c0_i32 = arith.constant 0 : i32
    %c0_i32_0 = arith.constant 0 : i32
    %c0_i32_1 = arith.constant 0 : i32
    return %c0_i32, %c0_i32_0 : i32, i32
  }
  func.func @transform_2(%arg0: i32) -> (i32, i32) {
    %c0_i32 = arith.constant 0 : i32
    %c0_i32_0 = arith.constant 0 : i32
    %c0_i32_1 = arith.constant 0 : i32
    return %c0_i32, %c0_i32_0 : i32, i32
  }
  func.func @transform_3(%arg0: i32) -> (i32, i32) {
    %c0_i32 = arith.constant 0 : i32
    %c0_i32_0 = arith.constant 0 : i32
    %c0_i32_1 = arith.constant 0 : i32
    return %c0_i32, %c0_i32_0 : i32, i32
  }
  func.func @transform_4(%arg0: i32) -> (i32, i32) {
    %c0_i32 = arith.constant 0 : i32
    %c0_i32_0 = arith.constant 0 : i32
    %c0_i32_1 = arith.constant 0 : i32
    return %c0_i32, %c0_i32_0 : i32, i32
  }
  func.func @transform_5(%arg0: i32) -> (i32, i32) {
    %c0_i32 = arith.constant 0 : i32
    %c0_i32_0 = arith.constant 0 : i32
    return %arg0, %c0_i32 : i32, i32
  }
}

</mosaic_0001>

<sc_bundles>
// kernel: kernel.4.cloned.1.call-start
scs
__scs_entry_jumppad:
0x0: {  	(pc) =	sbr.rel $0x88, $3  }
0x1: {  	(tag) =	ssettag $0x0;
	lr =	simm.s32 $0x1  }
0x2: {  	[smem:$0x3F9B] =	sst lr;
	_ =	strace $0xD0000000  }
0x3: {  	_ = 	snop  }
0x4: {  	_ = 	snop  }
0x5: {  	_ = 	snop  }
0x6: {  	_ = 	snop  }
0x7: {  	_ = 	snop  }
__scs_overlays_trampoline_lowered:
0x8: {  	[smem:$0x3FAA] =	sst s0  }
0x9: {  	[smem:$0x3FAB] =	sst s1  }
0xa: {  	[smem:$0x3FAC] =	sst s2  }
0xb: {  	[smem:$0x3FAD] =	sst s3  }
0xc: {  	[smem:$0x3FAE] =	sst s4  }
0xd: {  	[smem:$0x3FAF] =	sst s5  }
0xe: {  	[smem:$0x3FB0] =	sst s6  }
0xf: {  	[smem:$0x3FB1] =	sst s7  }
0x10: {  	[smem:$0x3FB2] =	sst s8  }
0x11: {  	[smem:$0x3FB3] =	sst s9;
	s0 =	simm.s32 @!p0 $0x0  }
0x12: {  	s1 =	sld [smem:$0x3F99];
	s0 =	simm.s32 @p0 $0x1  }
0x13: {  	[smem:$0x3FB4] =	sst s0;
	s0 =	simm.s32 @!p1 $0x0  }
0x14: {  	s2 =	sld [smem:$0x3F98];
	s0 =	simm.s32 @p1 $0x1  }
0x15: {  	[smem:$0x3FB5] =	sst s0;
	s0 =	simm.s32 @!p2 $0x0  }
0x16: {  	s3 =	sld [smem:$0x3FDB];
	s0 =	simm.s32 @p2 $0x1  }
0x17: {  	s4 =	simm.s32 $0x1BF5;
	[smem:$0x3FB7] =	sst s0  }
0x18: {  	s0 =	sld [smem:$0x3F9A];
	_ =	swait.ge [sflag:s4], $0x0  }
0x19: {  	s7 =	sld [smem:$0x3F9B]  }
0x1a: {  	s8 =	sadd.s32 $0xFFFFE003, lr  }
0x1b: {  	s9 =	sadd.s32 $0xFFFFFEF7, lr;
	s5 =	simm.s32 $0xFFFFFFFF;
	p2 =	slt.u32 s8, $0xFFFFF086  }
0x1c: {  	p1 =	slt.u32 s9, $0xF7A;
	s5 =	simm.s32 @!p2 $0x0  }
0x1d: {  	s5 =	simm.s32 @p1 $0x1;
	p0 =	seq.s32 s7, s2  }
0x1e: {  	s7 =	smul.u32 @!p0 $0xF7A, s2;
	p2 =	seq.s32 @!p0 s5, $0x0  }
0x1f: {  	s9 =	smul.u32 $0xF7A, s1;
	s8 =	simm.s32 @!p0 $0x1BF5;
	p2 =	por !p2, p0  }
0x20: {  	[sflag:s8] =	ssyncset.s32 @!p0 $0xFFFFF086;
	s6 =	sadd.s32 @!p0 s3, s7;
	s7 =	simm.s32 @!p0 $0x108  }
0x21: {  	s3 =	sadd.s32 s3, s9;
	s6 =	sadd.s32 @!p0 $0x88, s6;
	s7 =	simm.s32 @p2 $0x1082  }
0x22: {  	[simem:s7], [sflag:s8] =	dma.local @!p0 [hbm:s6], $0xF7A  }
0x23: {  	s9 =	sor.u32 $0xD0000000, s2;
	s6 =	simm.s32 $0x108;
	_ =	swait.ge @!p0 [sflag:s8], $0x0  }
0x24: {  	s3 =	sadd.s32 $0x88, s3;
	s6 =	simm.s32 @!p1 $0x1082;
	[sflag:s4] =	ssyncset.s32 $0xFFFFF086  }
0x25: {  	[simem:s6], [sflag:s4] =	dma.local [hbm:s3], $0xF7A  }
0x26: {  	[smem:$0x3F9B] =	sst s1;
	(tag) =	ssettag s2;
	_ =	strace s9  }
0x27: {  	s1 =	sld [smem:$0x3FAB]  }
0x28: {  	s2 =	sld [smem:$0x3FAC]  }
0x29: {  	s4 =	sld [smem:$0x3FAE]  }
0x2a: {  	p0 =	seq.s32 s5, $0x0;
	s5 =	sld [smem:$0x3FAF]  }
0x2b: {  	s6 =	sld [smem:$0x3FB0]  }
0x2c: {  	s7 =	sld [smem:$0x3FB1]  }
0x2d: {  	s3 =	simm.s32 $0x108;
	s8 =	sld [smem:$0x3FB2]  }
0x2e: {  	s3 =	simm.s32 @!p0 $0x1082;
	s9 =	sld [smem:$0x3FB3]  }
0x2f: {  	lr =	sadd.s32 s0, s3;
	s0 =	sld [smem:$0x3FAA]  }
0x30: {  	s3 =	sld [smem:$0x3FAD]  }
0x31: {  	[smem:$0x3FB6] =	sst s10  }
0x32: {  	s10 =	sld [smem:$0x3FB4];
	_ =	sdelay $0x3  }
0x33: {  	p0 =	seq.s32 s10, $0x1;
	s10 =	sld [smem:$0x3FB6];
	_ =	sdelay $0x3  }
0x34: {  	[smem:$0x3FB6] =	sst s10  }
0x35: {  	s10 =	sld [smem:$0x3FB5];
	_ =	sdelay $0x3  }
0x36: {  	p1 =	seq.s32 s10, $0x1;
	s10 =	sld [smem:$0x3FB6];
	_ =	sdelay $0x3  }
0x37: {  	[smem:$0x3FB6] =	sst s10  }
0x38: {  	s10 =	sld [smem:$0x3FB7]  }
0x39: {  	_ = 	snop;
	(pc) =	sbr.ind lr, $3  }
0x3a: {  	_ = 	snop  }
0x3b: {  	_ = 	snop  }
0x3c: {  	p2 =	seq.s32 s10, $0x1;
	s10 =	sld [smem:$0x3FB6]  }
0x3d: {  	_ =	shalt  }
0x3e: {  	_ =	shalt  }
0x3f: {  	_ =	shalt  }
0x40: {  	_ =	shalt  }
0x41: {  	_ =	shalt  }
0x42: {  	_ =	shalt  }
0x43: {  	_ =	shalt  }
0x44: {  	_ =	shalt  }
0x45: {  	_ =	shalt  }
0x46: {  	_ =	shalt  }
0x47: {  	_ =	shalt  }
0x48: {  	_ =	shalt  }
0x49: {  	_ =	shalt  }
0x4a: {  	_ =	shalt  }
0x4b: {  	_ =	shalt  }
0x4c: {  	_ =	shalt  }
0x4d: {  	_ =	shalt  }
0x4e: {  	_ =	shalt  }
0x4f: {  	_ =	shalt  }
0x50: {  	_ =	shalt  }
0x51: {  	_ =	shalt  }
0x52: {  	_ =	shalt  }
0x53: {  	_ =	shalt  }
0x54: {  	_ =	shalt  }
0x55: {  	_ =	shalt  }
0x56: {  	_ =	shalt  }
0x57: {  	_ =	shalt  }
0x58: {  	_ =	shalt  }
0x59: {  	_ =	shalt  }
0x5a: {  	_ =	shalt  }
0x5b: {  	_ =	shalt  }
0x5c: {  	_ =	shalt  }
0x5d: {  	_ =	shalt  }
0x5e: {  	_ =	shalt  }
0x5f: {  	_ =	shalt  }
0x60: {  	_ =	shalt  }
0x61: {  	_ =	shalt  }
0x62: {  	_ =	shalt  }
0x63: {  	_ =	shalt  }
0x64: {  	_ =	shalt  }
0x65: {  	_ =	shalt  }
0x66: {  	_ =	shalt  }
0x67: {  	_ =	shalt  }
0x68: {  	_ =	shalt  }
0x69: {  	_ =	shalt  }
0x6a: {  	_ =	shalt  }
0x6b: {  	_ =	shalt  }
0x6c: {  	_ =	shalt  }
0x6d: {  	_ =	shalt  }
0x6e: {  	_ =	shalt  }
0x6f: {  	_ =	shalt  }
0x70: {  	_ =	shalt  }
0x71: {  	_ =	shalt  }
0x72: {  	_ =	shalt  }
0x73: {  	_ =	shalt  }
0x74: {  	_ =	shalt  }
0x75: {  	_ =	shalt  }
0x76: {  	_ =	shalt  }
0x77: {  	_ =	shalt  }
0x78: {  	_ =	shalt  }
0x79: {  	_ =	shalt  }
0x7a: {  	_ =	shalt  }
0x7b: {  	_ =	shalt  }
0x7c: {  	_ =	shalt  }
0x7d: {  	_ =	shalt  }
0x7e: {  	_ =	shalt  }
0x7f: {  	_ =	shalt  }
0x80: {  	_ =	shalt  }
0x81: {  	_ =	shalt  }
0x82: {  	_ =	shalt  }
0x83: {  	_ =	shalt  }
0x84: {  	_ =	shalt  }
0x85: {  	_ =	shalt  }
0x86: {  	_ =	shalt  }
0x87: {  	_ =	shalt  }
.Lfunc_end0:
.L_simem_size_0:
called_computation_lowered:
.L_overlay_start_0:
0x88: {  	s2 =	sld [smem:$0x3FD9]  }
0x89: {  	s3 =	sld [smem:$0x3FFE];
	_ =	sdelay $0x1  }
0x8a: {  	s1 =	srdreg.scid  }
0x8b: {  	s0 =	sand.u32 $0x1, s1  }
0x8c: {  	s17 =	sshll.u32 s0, $0xA;
	s2 =	sadd.s32 s3, s2  }
0x8d: {  	s2 =	sadd.s32 s2, s17  }
0x8e: {  	[smem:$0x3FC2] =	sst s2  }
0x8f: {  	_ = 	snop  }
0x90: {  	s2 =	sld [smem:$0x3FC8]  }
0x91: {  	s18 =	sld [smem:$0x3FD0];
	(tm) =	ssettm $0x1  }
0x92: {  	s4 =	sld [smem:$0x3FFB];
	_ =	sdelay $0x3  }
0x93: {  	_ =	strace s4  }
0x94: {  	s4 =	sld [smem:$0x3FFC];
	_ =	sdelay $0x3  }
0x95: {  	_ =	strace s4  }
0x96: {  	s4 =	sld [smem:$0x3FFD];
	_ =	sdelay $0x3  }
0x97: {  	_ =	strace s4  }
0x98: {  	_ =	strace $0x8FFFFFFF  }
0x99: {  	s19 =	sld [smem:$0x3FDB];
	_ =	sdelay $0x1  }
0x9a: {  	s5 =	simm.s32 $_scs_section_size  }
0x9b: {  	s6 =	simm.s32 $_size__tile_overlayer_lowered;
	s7 =	simm.s32 $_tile_overlayer_lowered  }
0x9c: {  	s22 =	simm.s32 $0x1BFF;
	s21 =	sshll.u32 s7, $0x1;
	s4 =	sadd.s32 s5, s19  }
0x9d: {  	s8 =	simm.s32 $0x0;
	s20 =	sshll.u32 s6, $0x1;
	s6 =	sadd.s32 s21, s4  }
0x9e: {  	[timem:s8], [sflag:s22] =	dma.local [hbm:s6], s20  }
0x9f: {  	_ =	swait.ge [sflag:s22], s20  }
0xa0: {  	s5 =	ssub.s32 $0x0, s20;
	[sflag:s22] =	ssyncset.done $0x0  }
0xa1: {  	[sflag:s22] =	ssyncadd.s32 s5;
	_ =	sdelay $0x1  }
0xa2: {  	s23 =	simm.s32 $0x1B8B  }
0xa3: {  	_ =	swait.ge [sflag:s23], $0x1  }
0xa4: {  	[sflag:s23] =	ssyncset.done $0x0  }
0xa5: {  	s25 =	simm.s32 $0x1B8E;
	s24 =	sld [smem:$0x3FFE];
	[sflag:s23] =	ssyncadd.s32 $0xFFFFFFFF  }
0xa6: {  	s26 =	simm.s32 $execute0_lowered;
	[smem:$0x3FD2] =	sst s25  }
0xa7: {  	s6 =	sshll.u32 s26, $0x1;
	_ =	strace $0x80000046;
	[dreg:$0x1] =	wrdreg $0xFFFFFFFF  }
0xa8: {  	s28 =	simm.s32 $_size_execute0_lowered;
	s4 =	sadd.s32 s4, s6;
	[dreg:$0x0] =	wrdreg $0x0  }
0xa9: {  	s6 =	sshll.u32 s28, $0x1;
	[dreg:$0x2] =	wrdreg s4  }
0xaa: {  	[dreg:$0x3] =	wrdreg s6  }
0xab: {  	[dreg:$0x4] =	wrdreg $0xC0  }
0xac: {  	_ =	task [dreg:s8], $0x5FFFF  }
0xad: {  	[dreg:$0x1] =	wrdreg $0xFFFFFFFF  }
0xae: {  	[dreg:$0x0] =	wrdreg $0x60  }
0xaf: {  	[dreg:$0x2] =	wrdreg s18  }
0xb0: {  	[dreg:$0x3] =	wrdreg s2  }
0xb1: {  	[dreg:$0x4] =	wrdreg s24  }
0xb2: {  	[dreg:$0x5] =	wrdreg $0x9  }
0xb3: {  	_ =	task.clear_ibuf [dreg:s8], $0x6FFFF;
	_ =	strace $0x90000046  }
0xb4: {  	s29 =	simm.s32 $0x9;
	_ =	strace $0x80000048  }
0xb5: {  	_ =	swait.ge [sflag:s29], $0x1  }
0xb6: {  	[sflag:s29] =	ssyncadd.s32 $0xFFFFFFFF  }
0xb7: {  	_ =	strace $0x90000048  }
0xb8: {  	_ =	sfence  }
0xb9: {  	s30 =	sld [smem:$0x0];
	_ =	sdelay $0x2  }
0xba: {  	s31 =	sshll.u32 s1, $0xD;
	s1 =	sshrl.u32 s1, $0x2  }
0xbb: {  	s3 =	sand.u32 $0x4000, s31;
	s1 =	sadd.s32 s1, s30  }
0xbc: {  	s0 =	sor.u32 s3, s0;
	s1 =	sshll.u32 s1, $0x11  }
0xbd: {  	s0 =	sor.u32 s1, s0  }
0xbe: {  	s0 =	sadd.s32 $0x8F2B, s0  }
0xbf: {  	[sflag:s0] =	ssyncadd.remote.s32 $0x1  }
0xc0: {  	_ =	sfence.sel $0xFFFF  }
0xc1: {  	[dreg:$0x0] =	wrdreg $0xFFFFFFFF;
	(pc) =	sbr.abs _section_cstart, $3  }
0xc2: {  	[dreg:$0x1] =	wrdreg $0xFFFFFFFF  }
0xc3: {  	_ =	task.clear_ibuf [dreg:s8], $0x2FFFF;
	_ =	strace $0x9FFFFFFF  }
0xc4: {  	(tm) =	ssettm $0x7FFFFFFF  }
0xc5: {  	_ =	shalt  }
tec
execute0_lowered:
.L_overlay_start_1:
0x0: {  	(tag) =	ssettag $0x1  }
0x1: {  	s0 =	rddreg [dreg:$0x0]  }
0x2: {  	s2 =	rddreg [dreg:$0x1];
	s1 =	srdreg.scid  }
0x3: {  	s3 =	stileid.u32;
	s4 =	rddreg [dreg:$0x2]  }
0x4: {  	s8 =	simm.s32 $0x6;
	s9 =	simm.s32 $0x68;
	s11 =	simm.s32 $0x60  }
0x5: {  	s16 =	simm.s32 $0xFC00;
	s17 =	simm.s32 $0x190;
	s18 =	simm.s32 $0x12C00  }
0x6: {  	s19 =	simm.s32 $0x1F8;
	s20 =	simm.s32 $0x16000;
	s21 =	simm.s32 $0x1  }
0x7: {  	s22 =	simm.s32 $0x1F400;
	s23 =	simm.s32 $0x19000;
	s24 =	simm.s32 $0x1C400  }
0x8: {  	s25 =	simm.s32 $0x2;
	s26 =	simm.s32 $0x1F480;
	s28 =	simm.s32 $0x3  }
0x9: {  	s29 =	simm.s32 $0x5;
	s30 =	simm.s32 $0x4;
	s31 =	simm.s32 $0x0  }
.Ltmp0:
0xa: {  	s1 =	sand.u32 $0x1, s1;
	s5 =	sshll.u32 s3, $0x1;
	(pc) =	sbr.rel .LBB2_1-.Ltmp0, $4  }
0xb: {  	s3 =	simm.s32 $0x0;
	s5 =	sor.u32 s1, s5;
	s1 =	ssub.s32 $0x2, s1  }
0xc: {  	[smem:$0x7FF] =	sst s3;
	s6 =	smul.u32 $0xC80, s5;
	s7 =	sshrl.u32 s1, $0x1  }
0xd: {  	s4 =	sadd.s32 $0xE00, s4;
	_ =	strace $0x80000047;
	s1 =	ssub.s32 s1, s7  }
0xe: {  	s5 =	sshll.u32 s5, $0x7;
	s6 =	sadd.s32 s0, s6;
	s7 =	smax.u32 s1, $0x1  }
.LBB2_12:
0xf: {  	s31 =	sadd.s32 $0x1, s31  }
0x10: {  	_ =	swait.ge [sflag:s29], $0x80;
	p0 =	sne.s32 s31, s7  }
.Ltmp1:
0x11: {  	[sflag:s29] =	ssyncset.done $0x0;
	(pc) =	sbr.rel @!p0 .LBB2_13-.Ltmp1, $4  }
0x12: {  	[sflag:s29] =	ssyncadd.s32 $0xFFFFFF80  }
0x13: {  	_ =	swait.ge [sflag:s29], $0x80  }
0x14: {  	[sflag:s29] =	ssyncset.done $0x0  }
0x15: {  	[sflag:s29] =	ssyncadd.s32 $0xFFFFFF80  }
.LBB2_1:
0x16: {  	[tilespmem:s3], [sflag:$0x6] =	stream.linear.gather [hbm4b:s6+s3], $0x6400, $0x38;
	[tilespmem:$0x1F500] =	vst v63  }
0x17: {  	_ =	swait.ge [sflag:s8], $0x6400  }
0x18: {  	[sflag:s8] =	ssyncset.done $0x0  }
0x19: {  	s0 =	simm.s32 $0x6400;
	[sflag:s8] =	ssyncadd.s32 $0xFFFF9C00  }
0x1a: {  	[tilespmem:s0], [sflag:$0x1] =	stream.indirect.gather [hbm4b:s2+s9], $0x80, s3, s9, $0xb8;
	[tilespmem:$0x1F500] =	vst v63  }
0x1b: {  	s13 =	simm.s32 $0x9800  }
0x1c: {  	[tilespmem:s13], [sflag:$0x1] =	stream.indirect.gather [hbm4b:s2+s11], $0x80, s9, s11, $0xb8;
	[tilespmem:$0x1F500] =	vst v63  }
0x1d: {  	s14 =	simm.s32 $0xC8;
	s1 =	simm.s32 $0xC800  }
0x1e: {  	[tilespmem:s1], [sflag:$0x2] =	stream.indirect.gather [hbm4b:s2+s9], $0x80, s14, s9, $0xb8;
	[tilespmem:$0x1F500] =	vst v63  }
0x1f: {  	s15 =	simm.s32 $0x130  }
0x20: {  	[tilespmem:s16], [sflag:$0x2] =	stream.indirect.gather [hbm4b:s2+s11], $0x80, s15, s11, $0xb8;
	[tilespmem:$0x1F500] =	vst v63  }
0x21: {  	_ = 	snop  }
0x22: {  	[tilespmem:s18], [sflag:$0x3] =	stream.indirect.gather [hbm4b:s2+s9], $0x80, s17, s9, $0xb8;
	[tilespmem:$0x1F500] =	vst v63  }
0x23: {  	s1 =	simm.s32 $0x0  }
0x24: {  	[tilespmem:s20], [sflag:$0x3] =	stream.indirect.gather [hbm4b:s2+s11], $0x80, s19, s11, $0xb8;
	[tilespmem:$0x1F500] =	vst v63  }
.LBB2_2:
0x25: {  	_ =	swait.ge [sflag:s21], $0x6400  }
0x26: {  	[sflag:s21] =	ssyncset.done $0x0  }
0x27: {  	s12 =	simm.s32 $0x0;
	[sflag:s21] =	ssyncadd.s32 $0xFFFF9C00  }
0x28: {  	v0 =	vld [tilespmem:s12+$0x6470]  }
0x29: {  	v1 =	vld [tilespmem:s12+$0x6400]  }
0x2a: {  	v3 =	vld [tilespmem:s12+$0x6410]  }
0x2b: {  	v12 =	vld [tilespmem:s12+$0x6420]  }
0x2c: {  	v11 =	vld [tilespmem:s12+$0x6430]  }
0x2d: {  	v2 =	vimm.f32 $0.0e+00;
	v5 =	vimm.f32 $0.0e+00;
	v6 =	vld [tilespmem:s12+$0x6440]  }
0x2e: {  	v9 =	vimm.f32 $0.0e+00;
	v7 =	vld [tilespmem:s12+$0x6450];
	v0 =	vadd.f32 v0, v2;
	v8 =	vadd.f32 v1, v2  }
0x2f: {  	s0 =	simm.s32 $0x80;
	s10 =	simm.s32 $0x400;
	v10 =	vld [tilespmem:s12+$0x6460];
	v4 =	vadd.f32 v3, v2;
	v3 =	vimm.f32 $0.0e+00;
	v1 =	vimm.f32 $0.0e+00  }
.LBB2_3:
0x30: {  	p0 =	sne.s32 s10, $0x18E00;
	v13 =	vld [tilespmem:s0+$0x6470];
	v2 =	vadd.f32 v12, v2  }
0x31: {  	v14 =	vld [tilespmem:s0+$0x6400];
	v5 =	vadd.f32 v11, v5  }
0x32: {  	v15 =	vld [tilespmem:s0+$0x6410];
	v9 =	vadd.f32 v6, v9  }
.Ltmp2:
0x33: {  	v12 =	vld [tilespmem:s0+$0x6420];
	v3 =	vadd.f32 v7, v3;
	(pc) =	sbr.rel @p0 .LBB2_3-.Ltmp2, $4  }
0x34: {  	v11 =	vld [tilespmem:s0+$0x6430];
	v1 =	vadd.f32 v10, v1  }
0x35: {  	v6 =	vld [tilespmem:s0+$0x6440];
	v0 =	vadd.f32 v13, v0  }
0x36: {  	v8 =	vadd.f32 v14, v8;
	v7 =	vld [tilespmem:s0+$0x6450]  }
0x37: {  	v4 =	vadd.f32 v15, v4;
	v10 =	vld [tilespmem:s0+$0x6460];
	s0 =	sshra.s32 s10, $0x2;
	s10 =	sadd.s32 $0x200, s10  }
0x38: {  	v13 =	vld [tilespmem:s0+$0x6470]  }
0x39: {  	v14 =	vld [tilespmem:s0+$0x6400]  }
0x3a: {  	v15 =	vld [tilespmem:s0+$0x6410]  }
0x3b: {  	v16 =	vld [tilespmem:s0+$0x6420]  }
0x3c: {  	v17 =	vld [tilespmem:s0+$0x6430]  }
0x3d: {  	v19 =	vld [tilespmem:s0+$0x6450]  }
0x3e: {  	v18 =	vld [tilespmem:s0+$0x6440];
	p0 =	seq.s32 s1, $0x0  }
0x3f: {  	v2 =	vadd.f32 v12, v2;
	v12 =	vld [tilespmem:s0+$0x6460];
	s0 =	simm.s32 @!p0 $0x5;
	v8 =	vadd.f32 v14, v8  }
0x40: {  	_ =	swait.ge @!p0 [sflag:s0], $0x80;
	v3 =	vadd.f32 v7, v3;
	v4 =	vadd.f32 v15, v4  }
0x41: {  	[sflag:s0] =	ssyncset.done @!p0 $0x0;
	v2 =	vadd.f32 v16, v2;
	v8 =	vmul.f32 $4.999999890e-03, v8  }
0x42: {  	[sflag:s0] =	ssyncadd.s32 @!p0 $0xFFFFFF80;
	v1 =	vadd.f32 v10, v1;
	v3 =	vadd.f32 v19, v3;
	v4 =	vmul.f32 $4.999999890e-03, v4  }
0x43: {  	v5 =	vadd.f32 v11, v5;
	v0 =	vadd.f32 v13, v0;
	v2 =	vmul.f32 $4.999999890e-03, v2;
	[tilespmem:$0x1F400] =	vst v8  }
0x44: {  	v6 =	vadd.f32 v6, v9;
	v1 =	vadd.f32 v12, v1;
	v3 =	vmul.f32 $4.999999890e-03, v3;
	[tilespmem:$0x1F410] =	vst v4  }
0x45: {  	v5 =	vadd.f32 v17, v5;
	v0 =	vmul.f32 $4.999999890e-03, v0;
	[tilespmem:$0x1F420] =	vst v2  }
0x46: {  	v6 =	vadd.f32 v18, v6;
	v1 =	vmul.f32 $4.999999890e-03, v1;
	[tilespmem:$0x1F450] =	vst v3  }
0x47: {  	s10 =	sshll.u32 s1, $0x2;
	v4 =	vmul.f32 $4.999999890e-03, v5;
	[tilespmem:$0x1F470] =	vst v0  }
0x48: {  	s13 =	sadd.s32 s5, s10;
	v2 =	vmul.f32 $4.999999890e-03, v6;
	[tilespmem:$0x1F460] =	vst v1  }
0x49: {  	s12 =	sshll.u32 s13, $0x4;
	s0 =	sor.u32 $0x3, s10;
	[tilespmem:$0x1F430] =	vst v4  }
0x4a: {  	s13 =	simm.s32 $0x0;
	s12 =	sadd.s32 s4, s12;
	s14 =	smul.u32 $0x320, s0;
	[tilespmem:$0x1F440] =	vst v2  }
0x4b: {  	[hbm4b:s12+s13] =	stream.linear.scatter [tilespmem:s22], [sflag:$0x5], $0x80, $0x38;
	[tilespmem:$0x1F500] =	vst v63  }
0x4c: {  	s14 =	sshra.s32 s14, $0x2  }
0x4d: {  	[tilespmem:s23], [sflag:$0x4] =	stream.indirect.gather [hbm4b:s2+s9], $0x80, s14, s9, $0xb8;
	[tilespmem:$0x1F500] =	vst v63  }
0x4e: {  	s12 =	sadd.s32 $0x68, s14  }
0x4f: {  	[tilespmem:s24], [sflag:$0x4] =	stream.indirect.gather [hbm4b:s2+s11], $0x80, s12, s11, $0xb8;
	[tilespmem:$0x1F500] =	vst v63  }
0x50: {  	_ =	swait.ge [sflag:s25], $0x6400  }
0x51: {  	[sflag:s25] =	ssyncset.done $0x0  }
0x52: {  	s15 =	simm.s32 $0x0;
	[sflag:s25] =	ssyncadd.s32 $0xFFFF9C00  }
0x53: {  	v0 =	vld [tilespmem:s15+$0xC870]  }
0x54: {  	v1 =	vld [tilespmem:s15+$0xC800]  }
0x55: {  	v3 =	vld [tilespmem:s15+$0xC810]  }
0x56: {  	v12 =	vld [tilespmem:s15+$0xC820]  }
0x57: {  	v11 =	vld [tilespmem:s15+$0xC830]  }
0x58: {  	v9 =	vimm.f32 $0.0e+00;
	v2 =	vimm.f32 $0.0e+00;
	v6 =	vld [tilespmem:s15+$0xC840]  }
0x59: {  	v5 =	vimm.f32 $0.0e+00;
	v7 =	vld [tilespmem:s15+$0xC850];
	v0 =	vadd.f32 v0, v2;
	v8 =	vadd.f32 v1, v2  }
0x5a: {  	s13 =	simm.s32 $0x400;
	s12 =	simm.s32 $0x80;
	v10 =	vld [tilespmem:s15+$0xC860];
	v4 =	vadd.f32 v3, v2;
	v3 =	vimm.f32 $0.0e+00;
	v1 =	vimm.f32 $0.0e+00  }
.LBB2_5:
0x5b: {  	p1 =	sne.s32 s13, $0x18E00;
	v13 =	vld [tilespmem:s12+$0xC870];
	v2 =	vadd.f32 v12, v2  }
0x5c: {  	v14 =	vld [tilespmem:s12+$0xC800];
	v5 =	vadd.f32 v11, v5  }
0x5d: {  	v15 =	vld [tilespmem:s12+$0xC810];
	v9 =	vadd.f32 v6, v9  }
.Ltmp3:
0x5e: {  	v12 =	vld [tilespmem:s12+$0xC820];
	v3 =	vadd.f32 v7, v3;
	(pc) =	sbr.rel @p1 .LBB2_5-.Ltmp3, $4  }
0x5f: {  	v11 =	vld [tilespmem:s12+$0xC830];
	v1 =	vadd.f32 v10, v1  }
0x60: {  	v6 =	vld [tilespmem:s12+$0xC840];
	v0 =	vadd.f32 v13, v0  }
0x61: {  	v8 =	vadd.f32 v14, v8;
	v7 =	vld [tilespmem:s12+$0xC850]  }
0x62: {  	v4 =	vadd.f32 v15, v4;
	v10 =	vld [tilespmem:s12+$0xC860];
	s12 =	sshra.s32 s13, $0x2;
	s13 =	sadd.s32 $0x200, s13  }
0x63: {  	v13 =	vld [tilespmem:s12+$0xC870]  }
0x64: {  	v14 =	vld [tilespmem:s12+$0xC800]  }
0x65: {  	v15 =	vld [tilespmem:s12+$0xC810]  }
0x66: {  	v16 =	vld [tilespmem:s12+$0xC820]  }
0x67: {  	v17 =	vld [tilespmem:s12+$0xC830]  }
0x68: {  	v19 =	vld [tilespmem:s12+$0xC850]  }
0x69: {  	v18 =	vld [tilespmem:s12+$0xC840]  }
0x6a: {  	v2 =	vadd.f32 v12, v2;
	v12 =	vld [tilespmem:s12+$0xC860];
	s12 =	simm.s32 @!p0 $0x5;
	v8 =	vadd.f32 v14, v8  }
0x6b: {  	_ =	swait.ge @!p0 [sflag:s12], $0x80;
	v3 =	vadd.f32 v7, v3;
	v4 =	vadd.f32 v15, v4  }
0x6c: {  	[sflag:s12] =	ssyncset.done @!p0 $0x0;
	v2 =	vadd.f32 v16, v2;
	v8 =	vmul.f32 $4.999999890e-03, v8  }
0x6d: {  	[sflag:s12] =	ssyncadd.s32 @!p0 $0xFFFFFF80;
	v1 =	vadd.f32 v10, v1;
	v3 =	vadd.f32 v19, v3;
	v4 =	vmul.f32 $4.999999890e-03, v4  }
0x6e: {  	v5 =	vadd.f32 v11, v5;
	v0 =	vadd.f32 v13, v0;
	v2 =	vmul.f32 $4.999999890e-03, v2;
	[tilespmem:$0x1F480] =	vst v8  }
0x6f: {  	v6 =	vadd.f32 v6, v9;
	v1 =	vadd.f32 v12, v1;
	v3 =	vmul.f32 $4.999999890e-03, v3;
	[tilespmem:$0x1F490] =	vst v4  }
0x70: {  	v5 =	vadd.f32 v17, v5;
	v0 =	vmul.f32 $4.999999890e-03, v0;
	[tilespmem:$0x1F4A0] =	vst v2  }
0x71: {  	s15 =	sor.u32 $0x1, s10;
	v6 =	vadd.f32 v18, v6;
	v1 =	vmul.f32 $4.999999890e-03, v1;
	[tilespmem:$0x1F4D0] =	vst v3  }
0x72: {  	s12 =	sadd.s32 s5, s15;
	v4 =	vmul.f32 $4.999999890e-03, v5;
	[tilespmem:$0x1F4F0] =	vst v0  }
0x73: {  	s12 =	sshll.u32 s12, $0x4;
	v2 =	vmul.f32 $4.999999890e-03, v6;
	[tilespmem:$0x1F4E0] =	vst v1  }
0x74: {  	p0 =	seq.s32 s1, $0x1F;
	s12 =	sand.u32 $0x1FFFFFD0, s12;
	[tilespmem:$0x1F4B0] =	vst v4  }
0x75: {  	s13 =	smul.u32 @!p0 $0xC80, s1;
	s12 =	sadd.s32 s4, s12;
	[tilespmem:$0x1F4C0] =	vst v2  }
0x76: {  	[hbm4b:s12+s3] =	stream.linear.scatter [tilespmem:s26], [sflag:$0x5], $0x80, $0x38;
	[tilespmem:$0x1F500] =	vst v63  }
0x77: {  	s12 =	sshra.s32 @!p0 s13, $0x2  }
0x78: {  	s14 =	simm.s32 @!p0 $0x68;
	s15 =	simm.s32 @!p0 $0x6400;
	s13 =	sadd.s32 @!p0 $0x320, s12  }
0x79: {  	[tilespmem:s15], [sflag:$0x1] =	stream.indirect.gather @!p0 [hbm4b:s2+s14], $0x80, s13, s14, $0xb8;
	[tilespmem:$0x1F500] =	vst v63  }
0x7a: {  	s13 =	sadd.s32 @!p0 $0x388, s12;
	s14 =	simm.s32 @!p0 $0x60;
	s15 =	simm.s32 @!p0 $0x9800  }
0x7b: {  	[tilespmem:s15], [sflag:$0x1] =	stream.indirect.gather @!p0 [hbm4b:s2+s14], $0x80, s13, s14, $0xb8;
	[tilespmem:$0x1F500] =	vst v63  }
0x7c: {  	_ =	swait.ge [sflag:s28], $0x6400  }
0x7d: {  	[sflag:s28] =	ssyncset.done $0x0  }
0x7e: {  	s15 =	simm.s32 $0x0;
	[sflag:s28] =	ssyncadd.s32 $0xFFFF9C00  }
0x7f: {  	v0 =	vld [tilespmem:s15+$0x12C70]  }
0x80: {  	v1 =	vld [tilespmem:s15+$0x12C00]  }
0x81: {  	v3 =	vld [tilespmem:s15+$0x12C10]  }
0x82: {  	v12 =	vld [tilespmem:s15+$0x12C20]  }
0x83: {  	v11 =	vld [tilespmem:s15+$0x12C30]  }
0x84: {  	v9 =	vimm.f32 $0.0e+00;
	v2 =	vimm.f32 $0.0e+00;
	v7 =	vld [tilespmem:s15+$0x12C40]  }
0x85: {  	v6 =	vimm.f32 $0.0e+00;
	v8 =	vld [tilespmem:s15+$0x12C50];
	v0 =	vadd.f32 v0, v2;
	v5 =	vadd.f32 v1, v2  }
0x86: {  	s13 =	simm.s32 $0x80;
	s14 =	simm.s32 $0x400;
	v10 =	vld [tilespmem:s15+$0x12C60];
	v4 =	vadd.f32 v3, v2;
	v3 =	vimm.f32 $0.0e+00;
	v1 =	vimm.f32 $0.0e+00  }
.LBB2_7:
0x87: {  	p1 =	sne.s32 s14, $0x18E00;
	v13 =	vld [tilespmem:s13+$0x12C70];
	v2 =	vadd.f32 v12, v2  }
0x88: {  	v14 =	vld [tilespmem:s13+$0x12C00];
	v6 =	vadd.f32 v11, v6  }
0x89: {  	v15 =	vld [tilespmem:s13+$0x12C10];
	v9 =	vadd.f32 v7, v9  }
.Ltmp4:
0x8a: {  	v12 =	vld [tilespmem:s13+$0x12C20];
	v3 =	vadd.f32 v8, v3;
	(pc) =	sbr.rel @p1 .LBB2_7-.Ltmp4, $4  }
0x8b: {  	v11 =	vld [tilespmem:s13+$0x12C30];
	v1 =	vadd.f32 v10, v1  }
0x8c: {  	v7 =	vld [tilespmem:s13+$0x12C40];
	v0 =	vadd.f32 v13, v0  }
0x8d: {  	v5 =	vadd.f32 v14, v5;
	v8 =	vld [tilespmem:s13+$0x12C50]  }
0x8e: {  	v4 =	vadd.f32 v15, v4;
	v10 =	vld [tilespmem:s13+$0x12C60];
	s13 =	sshra.s32 s14, $0x2;
	s14 =	sadd.s32 $0x200, s14  }
0x8f: {  	v13 =	vld [tilespmem:s13+$0x12C70]  }
0x90: {  	v14 =	vld [tilespmem:s13+$0x12C00]  }
0x91: {  	v15 =	vld [tilespmem:s13+$0x12C10]  }
0x92: {  	v16 =	vld [tilespmem:s13+$0x12C20]  }
0x93: {  	v19 =	vld [tilespmem:s13+$0x12C50]  }
0x94: {  	v17 =	vld [tilespmem:s13+$0x12C30]  }
0x95: {  	v2 =	vadd.f32 v12, v2;
	v12 =	vld [tilespmem:s13+$0x12C60];
	v5 =	vadd.f32 v14, v5  }
0x96: {  	v18 =	vld [tilespmem:s13+$0x12C40];
	_ =	swait.ge [sflag:s29], $0x80;
	v3 =	vadd.f32 v8, v3;
	v4 =	vadd.f32 v15, v4  }
0x97: {  	[sflag:s29] =	ssyncset.done $0x0;
	v2 =	vadd.f32 v16, v2;
	v5 =	vmul.f32 $4.999999890e-03, v5  }
0x98: {  	[sflag:s29] =	ssyncadd.s32 $0xFFFFFF80;
	v1 =	vadd.f32 v10, v1;
	v3 =	vadd.f32 v19, v3;
	v4 =	vmul.f32 $4.999999890e-03, v4  }
0x99: {  	v6 =	vadd.f32 v11, v6;
	v0 =	vadd.f32 v13, v0;
	v2 =	vmul.f32 $4.999999890e-03, v2;
	[tilespmem:$0x1F400] =	vst v5  }
0x9a: {  	v7 =	vadd.f32 v7, v9;
	v1 =	vadd.f32 v12, v1;
	v3 =	vmul.f32 $4.999999890e-03, v3;
	[tilespmem:$0x1F410] =	vst v4  }
0x9b: {  	v6 =	vadd.f32 v17, v6;
	v0 =	vmul.f32 $4.999999890e-03, v0;
	[tilespmem:$0x1F420] =	vst v2  }
0x9c: {  	s10 =	sadd.s32 s10, s5;
	v7 =	vadd.f32 v18, v7;
	v1 =	vmul.f32 $4.999999890e-03, v1;
	[tilespmem:$0x1F450] =	vst v3  }
0x9d: {  	s10 =	sshll.u32 s10, $0x4;
	v4 =	vmul.f32 $4.999999890e-03, v6;
	[tilespmem:$0x1F470] =	vst v0  }
0x9e: {  	s10 =	sadd.s32 $0x20, s10;
	v2 =	vmul.f32 $4.999999890e-03, v7;
	[tilespmem:$0x1F460] =	vst v1  }
0x9f: {  	s10 =	sand.u32 $0x1FFFFFE0, s10;
	[tilespmem:$0x1F430] =	vst v4  }
0xa0: {  	s10 =	sadd.s32 s4, s10;
	[tilespmem:$0x1F440] =	vst v2  }
0xa1: {  	[hbm4b:s10+s3] =	stream.linear.scatter [tilespmem:s22], [sflag:$0x5], $0x80, $0x38;
	[tilespmem:$0x1F500] =	vst v63  }
0xa2: {  	s13 =	simm.s32 @!p0 $0x68;
	s14 =	simm.s32 @!p0 $0xC800;
	s10 =	sadd.s32 @!p0 $0x3E8, s12  }
0xa3: {  	[tilespmem:s14], [sflag:$0x2] =	stream.indirect.gather @!p0 [hbm4b:s2+s13], $0x80, s10, s13, $0xb8;
	[tilespmem:$0x1F500] =	vst v63  }
0xa4: {  	s10 =	sadd.s32 @!p0 $0x450, s12;
	s12 =	simm.s32 @!p0 $0x60;
	s13 =	simm.s32 @!p0 $0xFC00  }
0xa5: {  	[tilespmem:s13], [sflag:$0x2] =	stream.indirect.gather @!p0 [hbm4b:s2+s12], $0x80, s10, s12, $0xb8;
	[tilespmem:$0x1F500] =	vst v63  }
0xa6: {  	_ =	swait.ge [sflag:s30], $0x6400  }
0xa7: {  	[sflag:s30] =	ssyncset.done $0x0  }
0xa8: {  	s15 =	simm.s32 $0x0;
	[sflag:s30] =	ssyncadd.s32 $0xFFFF9C00  }
0xa9: {  	v0 =	vld [tilespmem:s15+$0x19070]  }
0xaa: {  	v1 =	vld [tilespmem:s15+$0x19000]  }
0xab: {  	v3 =	vld [tilespmem:s15+$0x19010]  }
0xac: {  	v12 =	vld [tilespmem:s15+$0x19020]  }
0xad: {  	v11 =	vld [tilespmem:s15+$0x19030]  }
0xae: {  	v9 =	vimm.f32 $0.0e+00;
	v2 =	vimm.f32 $0.0e+00;
	v7 =	vld [tilespmem:s15+$0x19040]  }
0xaf: {  	v6 =	vimm.f32 $0.0e+00;
	v8 =	vld [tilespmem:s15+$0x19050];
	v0 =	vadd.f32 v0, v2;
	v5 =	vadd.f32 v1, v2  }
0xb0: {  	s10 =	simm.s32 $0x80;
	s12 =	simm.s32 $0x400;
	v10 =	vld [tilespmem:s15+$0x19060];
	v4 =	vadd.f32 v3, v2;
	v3 =	vimm.f32 $0.0e+00;
	v1 =	vimm.f32 $0.0e+00  }
.LBB2_9:
0xb1: {  	p1 =	sne.s32 s12, $0x18E00;
	v13 =	vld [tilespmem:s10+$0x19070];
	v2 =	vadd.f32 v12, v2  }
0xb2: {  	v14 =	vld [tilespmem:s10+$0x19000];
	v6 =	vadd.f32 v11, v6  }
0xb3: {  	v15 =	vld [tilespmem:s10+$0x19010];
	v9 =	vadd.f32 v7, v9  }
.Ltmp5:
0xb4: {  	v12 =	vld [tilespmem:s10+$0x19020];
	v3 =	vadd.f32 v8, v3;
	(pc) =	sbr.rel @p1 .LBB2_9-.Ltmp5, $4  }
0xb5: {  	v11 =	vld [tilespmem:s10+$0x19030];
	v1 =	vadd.f32 v10, v1  }
0xb6: {  	v7 =	vld [tilespmem:s10+$0x19040];
	v0 =	vadd.f32 v13, v0  }
0xb7: {  	v5 =	vadd.f32 v14, v5;
	v8 =	vld [tilespmem:s10+$0x19050]  }
0xb8: {  	v4 =	vadd.f32 v15, v4;
	v10 =	vld [tilespmem:s10+$0x19060];
	s10 =	sshra.s32 s12, $0x2;
	s12 =	sadd.s32 $0x200, s12  }
0xb9: {  	v13 =	vld [tilespmem:s10+$0x19070]  }
0xba: {  	v14 =	vld [tilespmem:s10+$0x19000]  }
0xbb: {  	v15 =	vld [tilespmem:s10+$0x19010]  }
0xbc: {  	v16 =	vld [tilespmem:s10+$0x19020]  }
0xbd: {  	v17 =	vld [tilespmem:s10+$0x19030]  }
0xbe: {  	v18 =	vld [tilespmem:s10+$0x19040]  }
0xbf: {  	v19 =	vld [tilespmem:s10+$0x19050];
	v2 =	vadd.f32 v12, v2;
	v5 =	vadd.f32 v14, v5  }
0xc0: {  	v61 =	vld [tilespmem:s10+$0x19060];
	_ =	swait.ge [sflag:s29], $0x80;
	v6 =	vadd.f32 v11, v6;
	v4 =	vadd.f32 v15, v4  }
0xc1: {  	[sflag:s29] =	ssyncset.done $0x0;
	v7 =	vadd.f32 v7, v9;
	v2 =	vadd.f32 v16, v2;
	v5 =	vmul.f32 $4.999999890e-03, v5  }
0xc2: {  	[sflag:s29] =	ssyncadd.s32 $0xFFFFFF80;
	v3 =	vadd.f32 v8, v3;
	v6 =	vadd.f32 v17, v6;
	v4 =	vmul.f32 $4.999999890e-03, v4  }
0xc3: {  	v7 =	vadd.f32 v18, v7;
	v2 =	vmul.f32 $4.999999890e-03, v2;
	[tilespmem:$0x1F480] =	vst v5  }
0xc4: {  	v1 =	vadd.f32 v10, v1;
	v3 =	vadd.f32 v19, v3;
	v62 =	vmul.f32 $4.999999890e-03, v6;
	[tilespmem:$0x1F490] =	vst v4  }
0xc5: {  	v0 =	vadd.f32 v13, v0;
	v63 =	vmul.f32 $4.999999890e-03, v7;
	[tilespmem:$0x1F4A0] =	vst v2  }
0xc6: {  	v1 =	vadd.f32 v61, v1;
	v3 =	vmul.f32 $4.999999890e-03, v3;
	[tilespmem:$0x1F4B0] =	vst v62  }
.Ltmp6:
0xc7: {  	s0 =	sadd.s32 s5, s0;
	v0 =	vmul.f32 $4.999999890e-03, v0;
	[tilespmem:$0x1F4C0] =	vst v63;
	(pc) =	sbr.rel @p0 .LBB2_12-.Ltmp6, $4  }
0xc8: {  	s0 =	sshll.u32 s0, $0x4;
	v1 =	vmul.f32 $4.999999890e-03, v1;
	[tilespmem:$0x1F4D0] =	vst v3  }
0xc9: {  	s0 =	sand.u32 $0x1FFFFFF0, s0;
	[tilespmem:$0x1F4F0] =	vst v0  }
0xca: {  	s0 =	sadd.s32 s4, s0;
	[tilespmem:$0x1F4E0] =	vst v1  }
0xcb: {  	[hbm4b:s0+s3] =	stream.linear.scatter [tilespmem:s26], [sflag:$0x5], $0x80, $0x38;
	[tilespmem:$0x1F500] =	vst v63  }
0xcc: {  	s0 =	smul.u32 $0xC80, s1;
	_ =	sdelay $0x1  }
.Ltmp7:
0xcd: {  	s0 =	sshra.s32 s0, $0x2;
	(pc) =	sbr.rel .LBB2_2-.Ltmp7, $4  }
0xce: {  	s10 =	sadd.s32 $0x4B0, s0  }
0xcf: {  	[tilespmem:s18], [sflag:$0x3] =	stream.indirect.gather [hbm4b:s2+s9], $0x80, s10, s9, $0xb8;
	[tilespmem:$0x1F500] =	vst v63  }
0xd0: {  	s1 =	sadd.s32 $0x1, s1;
	s0 =	sadd.s32 $0x518, s0  }
0xd1: {  	[tilespmem:s20], [sflag:$0x3] =	stream.indirect.gather [hbm4b:s2+s11], $0x80, s0, s11, $0xb8;
	[tilespmem:$0x1F500] =	vst v63  }
.LBB2_13:
0xd2: {  	_ =	sfence.sel $0x180000  }
0xd3: {  	[bflag:$0x0] =	sbarrier.arrive $0xFFFF  }
0xd4: {  	_ =	strace $0x90000047  }
0xd5: {  	s0 =	stileid.u32;
	[bflag:$0x2] =	sbarrier.arrive $0xFFFF  }
0xd6: {  	p0 =	sne.s32 s0, $0x0;
	s0 =	rddreg [dreg:$0x3]  }
0xd7: {  	s0 =	sadd.s32 @!p0 $0x100000, s0  }
0xd8: {  	[sflag:s0] =	ssyncadd.tile.s32 @!p0 $0x1;
	_ =	shalt  }
.Lfunc_end2:
_tile_overlayer_lowered:
.L_overlay_start_2:
0xd9: {  	(tag) =	ssettag $0x2  }
0xda: {  	s0 =	rddreg [dreg:$0x0];
	s2 =	stileid.u32  }
0xdb: {  	s1 =	rddreg [dreg:$0x1];
	p0 =	sne.s32 s2, $0x0  }
0xdc: {  	s3 =	rddreg [dreg:$0x2];
	[bflag:$0x3] =	sbarrier.arrive $0xFFFF;
	s2 =	simm.s32 @!p0 $0x1C06  }
0xdd: {  	[timem:s3], [sflag:s2] =	dma.local @!p0 [hbm:s0], s1  }
0xde: {  	s0 =	simm.s32 @!p0 $0x6  }
0xdf: {  	_ =	swait.ge @!p0 [sflag:s0], s1  }
0xe0: {  	s1 =	ssub.s32 @!p0 $0x0, s1;
	[sflag:s0] =	ssyncset.done @!p0 $0x0  }
0xe1: {  	[sflag:s0] =	ssyncadd.s32 @!p0 s1  }
0xe2: {  	[bflag:$0x3] =	sbarrier.arrive $0xFFFF  }
0xe3: {  	_ =	shalt  }

</sc_bundles>
